<compile_context>
chip_gen: v7x
topology: tpu7x:2x2x1
jax: 0.10.2.dev20260603
libtpu: 0.0.44.dev20260713+nightly
codegen_flags: <defaults>
</compile_context>

<pallas_src>
import functools
import math

import numpy as np
import jax
import jax.numpy as jnp
from jax import lax
from jax.experimental import pallas as pl
from jax.experimental.pallas import tpu as pltpu
from jax.experimental.pallas import tpu_sc as plsc

VOCAB = 259
D = 128
B = 4096
S = 200
VP = 264
NC, NS = 2, 16
NW = NC * NS
TOK = B * S
TPW = TOK // NW
CH = 128
NCH = TPW // CH
NBUF = 5

LANES = 128
ROWS = TOK // LANES
XBLK = 1280

SBLK = 40


def _pe_np():
    position = np.arange(0, S, dtype=np.float32)[:, None]
    div_term = np.exp(
        np.arange(0, D, 2, dtype=np.float32) * (-math.log(10000.0) / D))
    pe = np.zeros((S, D), dtype=np.float32)
    pe[:, 0::2] = np.sin(position * div_term)
    pe[:, 1::2] = np.cos(position * div_term)
    return pe


_PE = _pe_np()


def _prep_body(tab_ref, pe_ref, g_ref, b_ref, x_ref, f_ref, idx_ref):
    h = tab_ref[...][None, :, :] + pe_ref[...][:, None, :]
    m = jnp.mean(h, axis=-1, keepdims=True)
    r = h - m
    v = jnp.mean(r * r, axis=-1, keepdims=True)
    f_ref[...] = r * lax.rsqrt(v + 1e-5) * g_ref[...] + b_ref[...]
    pid = pl.program_id(0)
    rr = lax.broadcasted_iota(jnp.int32, (XBLK, LANES), 0)
    cc = lax.broadcasted_iota(jnp.int32, (XBLK, LANES), 1)
    t = (pid * XBLK + rr) * LANES + cc
    idx_ref[...] = x_ref[...] + (t % S) * VP


def _prep_kernel(table_pad, pe, gamma2, beta2, xflat):
    return pl.pallas_call(
        _prep_body,
        grid=(S // SBLK,),
        in_specs=[
            pl.BlockSpec((VP, D), lambda i: (0, 0)),
            pl.BlockSpec((SBLK, D), lambda i: (i, 0)),
            pl.BlockSpec((1, D), lambda i: (0, 0)),
            pl.BlockSpec((1, D), lambda i: (0, 0)),
            pl.BlockSpec((XBLK, LANES), lambda i: (i, 0)),
        ],
        out_specs=[
            pl.BlockSpec((SBLK, VP, D), lambda i: (i, 0, 0)),
            pl.BlockSpec((XBLK, LANES), lambda i: (i, 0)),
        ],
        out_shape=[
            jax.ShapeDtypeStruct((S, VP, D), jnp.float32),
            jax.ShapeDtypeStruct((ROWS, LANES), jnp.int32),
        ],
    )(table_pad, pe, gamma2, beta2, xflat)


def _sc_gather(f_flat, idx3):
    mesh = plsc.VectorSubcoreMesh(core_axis_name="c", subcore_axis_name="s")

    @functools.partial(
        pl.kernel,
        out_type=jax.ShapeDtypeStruct((TOK, D), jnp.float32),
        mesh=mesh,
        scratch_types=[
            pltpu.VMEM((NCH, CH), jnp.int32),
            pltpu.VMEM((NBUF, CH, D), jnp.float32),
            pltpu.SemaphoreType.DMA,
            pltpu.SemaphoreType.DMA,
            pltpu.SemaphoreType.DMA,
            pltpu.SemaphoreType.DMA,
            pltpu.SemaphoreType.DMA,
            pltpu.SemaphoreType.DMA,
            pltpu.SemaphoreType.DMA,
            pltpu.SemaphoreType.DMA,
            pltpu.SemaphoreType.DMA,
            pltpu.SemaphoreType.DMA,
        ],
    )
    def k(f_hbm, idx_hbm, out_hbm, idx_v, rows_v,
          g0, g1, g2, g3, g4, w0, w1, w2, w3, w4):
        gsems = [g0, g1, g2, g3, g4]
        wsems = [w0, w1, w2, w3, w4]
        wid = lax.axis_index("s") * NC + lax.axis_index("c")
        base = wid * TPW

        pltpu.sync_copy(idx_hbm.at[wid], idx_v)

        def gather(j, slot):
            pltpu.async_copy(f_hbm.at[idx_v.at[j]], rows_v.at[slot],
                             gsems[slot])

        def fetch(j, slot):
            pltpu.make_async_copy(
                rows_v.at[slot],
                out_hbm.at[pl.ds(pl.multiple_of(base, CH), CH)],
                wsems[slot]).wait()
            gather(j, slot)

        def drain(j, slot):
            pltpu.make_async_copy(f_hbm.at[idx_v.at[j]], rows_v.at[slot],
                                  gsems[slot]).wait()
            off = pl.multiple_of(base + j * CH, CH)
            pltpu.async_copy(rows_v.at[slot], out_hbm.at[pl.ds(off, CH)],
                             wsems[slot])

        for p in range(NBUF - 1):
            gather(p, p)
        drain(0, 0)
        gather(NBUF - 1, NBUF - 1)

        def body(i, carry):
            k0 = i * NBUF + 1
            for p in range(NBUF):
                k = k0 + p
                drain(k, (1 + p) % NBUF)
                fetch(k + NBUF - 1, p)
            return carry

        lax.fori_loop(0, (NCH - NBUF) // NBUF, body, 0)

        j0 = NCH - NBUF
        for p in range(1, NBUF):
            drain(j0 + p, (j0 + p) % NBUF)

        for p in range(NBUF):
            pltpu.make_async_copy(
                rows_v.at[p],
                out_hbm.at[pl.ds(pl.multiple_of(base, CH), CH)],
                wsems[p]).wait()

    return k(f_flat, idx3)


def kernel(x, table, gamma, beta):
    x = x.astype(jnp.int32)
    table_pad = jnp.zeros((VP, D), table.dtype).at[:VOCAB].set(table)
    pe = jnp.asarray(_PE)
    f, idx = _prep_kernel(table_pad, pe, gamma.reshape(1, D),
                          beta.reshape(1, D), x.reshape(ROWS, LANES))
    f_flat = f.reshape(S * VP, D)
    out = _sc_gather(f_flat, idx.reshape(NW, NCH, CH))
    return out.reshape(B, S, D)

# --- scband reference (transcript-rebuilt; emitter-appended) ---
"""Pipeline reference for scband-byte-embedding-14130442404304 (READ-ONLY COPY).

The authoritative reference and input builder live on the scoring server;
editing this copy changes nothing except your own understanding.
"""

import jax, jax.numpy as jnp
import numpy as np
import math

VOCAB = 259
D = 128
B = 4096
S = 200

def _make_pe(seq_len, d_model):
    position = np.arange(0, seq_len, dtype=np.float32)[:, None]
    div_term = np.exp(np.arange(0, d_model, 2, dtype=np.float32) * (-math.log(10000.0) / d_model))
    pe = np.zeros((seq_len, d_model), dtype=np.float32)
    pe[:, 0::2] = np.sin(position * div_term)
    pe[:, 1::2] = np.cos(position * div_term)
    return jnp.asarray(pe)

def setup_inputs(seed: int = 0) -> dict:
    key = jax.random.key(seed)
    k1, k2 = jax.random.split(key)
    x = jax.random.randint(k1, (B, S), 0, VOCAB, dtype=jnp.int64 if jax.config.jax_enable_x64 else jnp.int32)
    table = jax.random.normal(k2, (VOCAB, D), dtype=jnp.float32)
    # padding_idx=0: zero out row 0 as nn.Embedding does
    table = table.at[0].set(0.0)
    gamma = jnp.ones((D,), dtype=jnp.float32)
    beta = jnp.zeros((D,), dtype=jnp.float32)
    return {"x": x, "table": table, "gamma": gamma, "beta": beta}

def reference(x, table, gamma, beta):
    # token embedding lookup (gather)
    emb = jnp.take(table, x, axis=0)  # [B, S, D]
    # sinusoidal positional encoding (dropout = identity in eval)
    pe = _make_pe(x.shape[1], table.shape[1])  # [S, D]
    h = emb + pe[None, :, :]
    # layer norm over last dim, eps=1e-5
    mean = jnp.mean(h, axis=-1, keepdims=True)
    var = jnp.var(h, axis=-1, keepdims=True)
    normed = (h - mean) / jnp.sqrt(var + 1e-5)
    out = normed * gamma + beta
    return out

if __name__ == "__main__":
    import jax
    _d = setup_inputs()
    print(jax.jit(kernel)(*tuple(_d.values())))

</pallas_src>

<mosaic_0001>
#map = affine_map<(d0, d1) -> (0, 0)>
#map1 = affine_map<(d0, d1) -> (0, 0, 0)>
module attributes {stable_mosaic.version = 14 : i64} {
  func.func @k(%arg0: i32, %arg1: i32, %arg2: memref<52800x128xf32, #tpu.memory_space<hbm>>, %arg3: memref<32x200x128xi32, #tpu.memory_space<hbm>>, %arg4: memref<819200x128xf32, #tpu.memory_space<hbm>>, %arg5: memref<200x128xi32, #tpu.memory_space<vmem>>, %arg6: memref<5x128x128xf32, #tpu.memory_space<vmem>>, %arg7: memref<!tpu.dma_semaphore, #tpu.memory_space<semaphore_mem>>, %arg8: memref<!tpu.dma_semaphore, #tpu.memory_space<semaphore_mem>>, %arg9: memref<!tpu.dma_semaphore, #tpu.memory_space<semaphore_mem>>, %arg10: memref<!tpu.dma_semaphore, #tpu.memory_space<semaphore_mem>>, %arg11: memref<!tpu.dma_semaphore, #tpu.memory_space<semaphore_mem>>, %arg12: memref<!tpu.dma_semaphore, #tpu.memory_space<semaphore_mem>>, %arg13: memref<!tpu.dma_semaphore, #tpu.memory_space<semaphore_mem>>, %arg14: memref<!tpu.dma_semaphore, #tpu.memory_space<semaphore_mem>>, %arg15: memref<!tpu.dma_semaphore, #tpu.memory_space<semaphore_mem>>, %arg16: memref<!tpu.dma_semaphore, #tpu.memory_space<semaphore_mem>>) attributes {dimension_semantics = [#tpu.dimension_semantics<core_parallel>, #tpu.dimension_semantics<subcore_parallel>], iteration_bounds = array<i64: 2, 16>, scalar_prefetch = 0 : i64, scratch_operands = 12 : i64, tpu.core_type = #tpu.core_type<sc_vector_subcore>, window_params = [{transform_indices = #map}, {transform_indices = #map1}, {transform_indices = #map}]} {
    %mul3A = arith.constant 2 : i32
    %mul3A_0 = arith.muli %arg1, %mul3A : i32
    %add3A = arith.addi %mul3A_0, %arg0 : i32
    %mul3A_1 = arith.constant 25600 : i32
    %mul3A_2 = arith.muli %add3A, %mul3A_1 : i32
    "tpu.region"() ({
      %run_scoped3A = tpu.sem_alloc : memref<!tpu.dma_semaphore, #tpu.memory_space<semaphore_mem>>
      %dma_start3A_275 = arith.constant 0 : i32
      %dma_start3A_276 = arith.constant 0 : i32
      %dma_start3A_277 = tpu.memref_slice %arg3[%add3A, %dma_start3A_275, %dma_start3A_276] : memref<32x200x128xi32, #tpu.memory_space<hbm>> -> memref<1x200x128xi32, #tpu.memory_space<hbm>>
      %dma_start3A_278 = tpu.memref_squeeze %dma_start3A_277 : memref<1x200x128xi32, #tpu.memory_space<hbm>> -> memref<200x128xi32, #tpu.memory_space<hbm>>
      %dma_start3A_279 = arith.constant 0 : i32
      %dma_start3A_280 = arith.constant 0 : i32
      %dma_start3A_281 = tpu.memref_slice %arg3[%add3A, %dma_start3A_279, %dma_start3A_280] : memref<32x200x128xi32, #tpu.memory_space<hbm>> -> memref<1x200x128xi32, #tpu.memory_space<hbm>>
      %dma_start3A_282 = tpu.memref_squeeze %dma_start3A_281 : memref<1x200x128xi32, #tpu.memory_space<hbm>> -> memref<200x128xi32, #tpu.memory_space<hbm>>
      tpu.enqueue_dma source(%dma_start3A_282 : memref<200x128xi32, #tpu.memory_space<hbm>>) target(%arg5 : memref<200x128xi32, #tpu.memory_space<vmem>>) target_semaphore(%run_scoped3A : memref<!tpu.dma_semaphore, #tpu.memory_space<semaphore_mem>>)
      %dma_wait3A_283 = arith.constant 0 : i32
      %dma_wait3A_284 = arith.constant 0 : i32
      %dma_wait3A_285 = tpu.memref_slice %arg3[%add3A, %dma_wait3A_283, %dma_wait3A_284] : memref<32x200x128xi32, #tpu.memory_space<hbm>> -> memref<1x200x128xi32, #tpu.memory_space<hbm>>
      %dma_wait3A_286 = tpu.memref_squeeze %dma_wait3A_285 : memref<1x200x128xi32, #tpu.memory_space<hbm>> -> memref<200x128xi32, #tpu.memory_space<hbm>>
      %dma_wait3A_287 = arith.constant 0 : i32
      %dma_wait3A_288 = arith.constant 0 : i32
      %dma_wait3A_289 = tpu.memref_slice %arg3[%add3A, %dma_wait3A_287, %dma_wait3A_288] : memref<32x200x128xi32, #tpu.memory_space<hbm>> -> memref<1x200x128xi32, #tpu.memory_space<hbm>>
      %dma_wait3A_290 = tpu.memref_squeeze %dma_wait3A_289 : memref<1x200x128xi32, #tpu.memory_space<hbm>> -> memref<200x128xi32, #tpu.memory_space<hbm>>
      tpu.wait_dma2 semaphore(%run_scoped3A : memref<!tpu.dma_semaphore, #tpu.memory_space<semaphore_mem>>) src(%dma_wait3A_290 : memref<200x128xi32, #tpu.memory_space<hbm>>) dst(%arg5 : memref<200x128xi32, #tpu.memory_space<vmem>>)
      tpu.yield
    }) : () -> ()
    %dma_start3A = arith.constant 0 : i32
    %dma_start3A_3 = arith.constant 0 : i32
    %dma_start3A_4 = arith.constant 0 : i32
    %dma_start3A_5 = arith.constant 0 : i32
    %dma_start3A_6 = tpu.memref_slice %arg6[%dma_start3A_3, %dma_start3A_4, %dma_start3A_5] : memref<5x128x128xf32, #tpu.memory_space<vmem>> -> memref<1x128x128xf32, #tpu.memory_space<vmem>>
    %dma_start3A_7 = tpu.memref_squeeze %dma_start3A_6 : memref<1x128x128xf32, #tpu.memory_space<vmem>> -> memref<128x128xf32, #tpu.memory_space<vmem>>
    %dma_start3A_8 = arith.constant 0 : i32
    %dma_start3A_9 = tpu.memref_slice %arg5[%dma_start3A, %dma_start3A_8] : memref<200x128xi32, #tpu.memory_space<vmem>> -> memref<1x128xi32, #tpu.memory_space<vmem>>
    %dma_start3A_10 = tpu.memref_squeeze %dma_start3A_9 : memref<1x128xi32, #tpu.memory_space<vmem>> -> memref<128xi32, #tpu.memory_space<vmem>>
    %dma_start3A_11 = arith.constant 0 : i32
    %dma_start3A_12 = arith.constant 0 : i32
    %dma_start3A_13 = tpu.memref_slice %arg2[%dma_start3A_11, %dma_start3A_12] : memref<52800x128xf32, #tpu.memory_space<hbm>> -> memref<52800x128xf32, #tpu.memory_space<hbm>>
    tpu.enqueue_indirect_dma source(%dma_start3A_13 : memref<52800x128xf32, #tpu.memory_space<hbm>>) target(%dma_start3A_7 : memref<128x128xf32, #tpu.memory_space<vmem>>) offsets(%dma_start3A_10 : memref<128xi32, #tpu.memory_space<vmem>>) semaphore(%arg7 : memref<!tpu.dma_semaphore, #tpu.memory_space<semaphore_mem>>)
    %dma_start3A_14 = arith.constant 1 : i32
    %dma_start3A_15 = arith.constant 1 : i32
    %dma_start3A_16 = arith.constant 0 : i32
    %dma_start3A_17 = arith.constant 0 : i32
    %dma_start3A_18 = tpu.memref_slice %arg6[%dma_start3A_15, %dma_start3A_16, %dma_start3A_17] : memref<5x128x128xf32, #tpu.memory_space<vmem>> -> memref<1x128x128xf32, #tpu.memory_space<vmem>>
    %dma_start3A_19 = tpu.memref_squeeze %dma_start3A_18 : memref<1x128x128xf32, #tpu.memory_space<vmem>> -> memref<128x128xf32, #tpu.memory_space<vmem>>
    %dma_start3A_20 = arith.constant 0 : i32
    %dma_start3A_21 = tpu.memref_slice %arg5[%dma_start3A_14, %dma_start3A_20] : memref<200x128xi32, #tpu.memory_space<vmem>> -> memref<1x128xi32, #tpu.memory_space<vmem>>
    %dma_start3A_22 = tpu.memref_squeeze %dma_start3A_21 : memref<1x128xi32, #tpu.memory_space<vmem>> -> memref<128xi32, #tpu.memory_space<vmem>>
    %dma_start3A_23 = arith.constant 0 : i32
    %dma_start3A_24 = arith.constant 0 : i32
    %dma_start3A_25 = tpu.memref_slice %arg2[%dma_start3A_23, %dma_start3A_24] : memref<52800x128xf32, #tpu.memory_space<hbm>> -> memref<52800x128xf32, #tpu.memory_space<hbm>>
    tpu.enqueue_indirect_dma source(%dma_start3A_25 : memref<52800x128xf32, #tpu.memory_space<hbm>>) target(%dma_start3A_19 : memref<128x128xf32, #tpu.memory_space<vmem>>) offsets(%dma_start3A_22 : memref<128xi32, #tpu.memory_space<vmem>>) semaphore(%arg8 : memref<!tpu.dma_semaphore, #tpu.memory_space<semaphore_mem>>)
    %dma_start3A_26 = arith.constant 2 : i32
    %dma_start3A_27 = arith.constant 2 : i32
    %dma_start3A_28 = arith.constant 0 : i32
    %dma_start3A_29 = arith.constant 0 : i32
    %dma_start3A_30 = tpu.memref_slice %arg6[%dma_start3A_27, %dma_start3A_28, %dma_start3A_29] : memref<5x128x128xf32, #tpu.memory_space<vmem>> -> memref<1x128x128xf32, #tpu.memory_space<vmem>>
    %dma_start3A_31 = tpu.memref_squeeze %dma_start3A_30 : memref<1x128x128xf32, #tpu.memory_space<vmem>> -> memref<128x128xf32, #tpu.memory_space<vmem>>
    %dma_start3A_32 = arith.constant 0 : i32
    %dma_start3A_33 = tpu.memref_slice %arg5[%dma_start3A_26, %dma_start3A_32] : memref<200x128xi32, #tpu.memory_space<vmem>> -> memref<1x128xi32, #tpu.memory_space<vmem>>
    %dma_start3A_34 = tpu.memref_squeeze %dma_start3A_33 : memref<1x128xi32, #tpu.memory_space<vmem>> -> memref<128xi32, #tpu.memory_space<vmem>>
    %dma_start3A_35 = arith.constant 0 : i32
    %dma_start3A_36 = arith.constant 0 : i32
    %dma_start3A_37 = tpu.memref_slice %arg2[%dma_start3A_35, %dma_start3A_36] : memref<52800x128xf32, #tpu.memory_space<hbm>> -> memref<52800x128xf32, #tpu.memory_space<hbm>>
    tpu.enqueue_indirect_dma source(%dma_start3A_37 : memref<52800x128xf32, #tpu.memory_space<hbm>>) target(%dma_start3A_31 : memref<128x128xf32, #tpu.memory_space<vmem>>) offsets(%dma_start3A_34 : memref<128xi32, #tpu.memory_space<vmem>>) semaphore(%arg9 : memref<!tpu.dma_semaphore, #tpu.memory_space<semaphore_mem>>)
    %dma_start3A_38 = arith.constant 3 : i32
    %dma_start3A_39 = arith.constant 3 : i32
    %dma_start3A_40 = arith.constant 0 : i32
    %dma_start3A_41 = arith.constant 0 : i32
    %dma_start3A_42 = tpu.memref_slice %arg6[%dma_start3A_39, %dma_start3A_40, %dma_start3A_41] : memref<5x128x128xf32, #tpu.memory_space<vmem>> -> memref<1x128x128xf32, #tpu.memory_space<vmem>>
    %dma_start3A_43 = tpu.memref_squeeze %dma_start3A_42 : memref<1x128x128xf32, #tpu.memory_space<vmem>> -> memref<128x128xf32, #tpu.memory_space<vmem>>
    %dma_start3A_44 = arith.constant 0 : i32
    %dma_start3A_45 = tpu.memref_slice %arg5[%dma_start3A_38, %dma_start3A_44] : memref<200x128xi32, #tpu.memory_space<vmem>> -> memref<1x128xi32, #tpu.memory_space<vmem>>
    %dma_start3A_46 = tpu.memref_squeeze %dma_start3A_45 : memref<1x128xi32, #tpu.memory_space<vmem>> -> memref<128xi32, #tpu.memory_space<vmem>>
    %dma_start3A_47 = arith.constant 0 : i32
    %dma_start3A_48 = arith.constant 0 : i32
    %dma_start3A_49 = tpu.memref_slice %arg2[%dma_start3A_47, %dma_start3A_48] : memref<52800x128xf32, #tpu.memory_space<hbm>> -> memref<52800x128xf32, #tpu.memory_space<hbm>>
    tpu.enqueue_indirect_dma source(%dma_start3A_49 : memref<52800x128xf32, #tpu.memory_space<hbm>>) target(%dma_start3A_43 : memref<128x128xf32, #tpu.memory_space<vmem>>) offsets(%dma_start3A_46 : memref<128xi32, #tpu.memory_space<vmem>>) semaphore(%arg10 : memref<!tpu.dma_semaphore, #tpu.memory_space<semaphore_mem>>)
    %dma_wait3A = arith.constant 0 : i32
    %dma_wait3A_50 = arith.constant 0 : i32
    %dma_wait3A_51 = arith.constant 0 : i32
    %dma_wait3A_52 = arith.constant 0 : i32
    %dma_wait3A_53 = tpu.memref_slice %arg6[%dma_wait3A_50, %dma_wait3A_51, %dma_wait3A_52] : memref<5x128x128xf32, #tpu.memory_space<vmem>> -> memref<1x128x128xf32, #tpu.memory_space<vmem>>
    %dma_wait3A_54 = tpu.memref_squeeze %dma_wait3A_53 : memref<1x128x128xf32, #tpu.memory_space<vmem>> -> memref<128x128xf32, #tpu.memory_space<vmem>>
    %dma_wait3A_55 = arith.constant 0 : i32
    %dma_wait3A_56 = tpu.memref_slice %arg5[%dma_wait3A, %dma_wait3A_55] : memref<200x128xi32, #tpu.memory_space<vmem>> -> memref<1x128xi32, #tpu.memory_space<vmem>>
    %dma_wait3A_57 = tpu.memref_squeeze %dma_wait3A_56 : memref<1x128xi32, #tpu.memory_space<vmem>> -> memref<128xi32, #tpu.memory_space<vmem>>
    %dma_wait3A_58 = arith.constant 0 : i32
    %dma_wait3A_59 = arith.constant 0 : i32
    %dma_wait3A_60 = tpu.memref_slice %arg2[%dma_wait3A_58, %dma_wait3A_59] : memref<52800x128xf32, #tpu.memory_space<hbm>> -> memref<52800x128xf32, #tpu.memory_space<hbm>>
    tpu.wait_indirect_dma semaphore(%arg7 : memref<!tpu.dma_semaphore, #tpu.memory_space<semaphore_mem>>) src(%dma_wait3A_60 : memref<52800x128xf32, #tpu.memory_space<hbm>>) dst(%dma_wait3A_54 : memref<128x128xf32, #tpu.memory_space<vmem>>)
    %add3A_61 = arith.constant 0 : i32
    %add3A_62 = arith.addi %mul3A_2, %add3A_61 : i32
    %multiple_of3A = tpu.assume_multiple %add3A_62, 128 : i32
    %dma_start3A_63 = arith.constant 0 : i32
    %dma_start3A_64 = arith.constant 0 : i32
    %dma_start3A_65 = arith.constant 0 : i32
    %dma_start3A_66 = tpu.memref_slice %arg6[%dma_start3A_63, %dma_start3A_64, %dma_start3A_65] : memref<5x128x128xf32, #tpu.memory_space<vmem>> -> memref<1x128x128xf32, #tpu.memory_space<vmem>>
    %dma_start3A_67 = tpu.memref_squeeze %dma_start3A_66 : memref<1x128x128xf32, #tpu.memory_space<vmem>> -> memref<128x128xf32, #tpu.memory_space<vmem>>
    %dma_start3A_68 = arith.constant 0 : i32
    %dma_start3A_69 = tpu.memref_slice %arg4[%multiple_of3A, %dma_start3A_68] : memref<819200x128xf32, #tpu.memory_space<hbm>> -> memref<128x128xf32, #tpu.memory_space<hbm>>
    %dma_start3A_70 = arith.constant 0 : i32
    %dma_start3A_71 = tpu.memref_slice %arg4[%multiple_of3A, %dma_start3A_70] : memref<819200x128xf32, #tpu.memory_space<hbm>> -> memref<128x128xf32, #tpu.memory_space<hbm>>
    %dma_start3A_72 = arith.constant 0 : i32
    %dma_start3A_73 = arith.constant 0 : i32
    %dma_start3A_74 = tpu.memref_slice %arg6[%dma_start3A_63, %dma_start3A_72, %dma_start3A_73] : memref<5x128x128xf32, #tpu.memory_space<vmem>> -> memref<1x128x128xf32, #tpu.memory_space<vmem>>
    %dma_start3A_75 = tpu.memref_squeeze %dma_start3A_74 : memref<1x128x128xf32, #tpu.memory_space<vmem>> -> memref<128x128xf32, #tpu.memory_space<vmem>>
    tpu.enqueue_dma source(%dma_start3A_75 : memref<128x128xf32, #tpu.memory_space<vmem>>) target(%dma_start3A_71 : memref<128x128xf32, #tpu.memory_space<hbm>>) target_semaphore(%arg12 : memref<!tpu.dma_semaphore, #tpu.memory_space<semaphore_mem>>)
    %dma_start3A_76 = arith.constant 4 : i32
    %dma_start3A_77 = arith.constant 4 : i32
    %dma_start3A_78 = arith.constant 0 : i32
    %dma_start3A_79 = arith.constant 0 : i32
    %dma_start3A_80 = tpu.memref_slice %arg6[%dma_start3A_77, %dma_start3A_78, %dma_start3A_79] : memref<5x128x128xf32, #tpu.memory_space<vmem>> -> memref<1x128x128xf32, #tpu.memory_space<vmem>>
    %dma_start3A_81 = tpu.memref_squeeze %dma_start3A_80 : memref<1x128x128xf32, #tpu.memory_space<vmem>> -> memref<128x128xf32, #tpu.memory_space<vmem>>
    %dma_start3A_82 = arith.constant 0 : i32
    %dma_start3A_83 = tpu.memref_slice %arg5[%dma_start3A_76, %dma_start3A_82] : memref<200x128xi32, #tpu.memory_space<vmem>> -> memref<1x128xi32, #tpu.memory_space<vmem>>
    %dma_start3A_84 = tpu.memref_squeeze %dma_start3A_83 : memref<1x128xi32, #tpu.memory_space<vmem>> -> memref<128xi32, #tpu.memory_space<vmem>>
    %dma_start3A_85 = arith.constant 0 : i32
    %dma_start3A_86 = arith.constant 0 : i32
    %dma_start3A_87 = tpu.memref_slice %arg2[%dma_start3A_85, %dma_start3A_86] : memref<52800x128xf32, #tpu.memory_space<hbm>> -> memref<52800x128xf32, #tpu.memory_space<hbm>>
    tpu.enqueue_indirect_dma source(%dma_start3A_87 : memref<52800x128xf32, #tpu.memory_space<hbm>>) target(%dma_start3A_81 : memref<128x128xf32, #tpu.memory_space<vmem>>) offsets(%dma_start3A_84 : memref<128xi32, #tpu.memory_space<vmem>>) semaphore(%arg11 : memref<!tpu.dma_semaphore, #tpu.memory_space<semaphore_mem>>)
    %scan3A = arith.constant 0 : i32
    %scan3A_88 = arith.constant 0 : i32
    %scan3A_89 = arith.constant 39 : i32
    %scan3A_90 = arith.addi %scan3A_88, %scan3A_89 : i32
    %scan3A_91 = arith.constant 1 : i32
    scf.for %scan3A_275 = %scan3A_88 to %scan3A_90 step %scan3A_91  : i32 {
      %mul3A_276 = arith.constant 5 : i32
      %mul3A_277 = arith.muli %scan3A_275, %mul3A_276 : i32
      %add3A_278 = arith.constant 1 : i32
      %add3A_279 = arith.addi %mul3A_277, %add3A_278 : i32
      %add3A_280 = arith.constant 0 : i32
      %add3A_281 = arith.addi %add3A_279, %add3A_280 : i32
      %dma_wait3A_282 = arith.constant 1 : i32
      %dma_wait3A_283 = arith.constant 0 : i32
      %dma_wait3A_284 = arith.constant 0 : i32
      %dma_wait3A_285 = tpu.memref_slice %arg6[%dma_wait3A_282, %dma_wait3A_283, %dma_wait3A_284] : memref<5x128x128xf32, #tpu.memory_space<vmem>> -> memref<1x128x128xf32, #tpu.memory_space<vmem>>
      %dma_wait3A_286 = tpu.memref_squeeze %dma_wait3A_285 : memref<1x128x128xf32, #tpu.memory_space<vmem>> -> memref<128x128xf32, #tpu.memory_space<vmem>>
      %dma_wait3A_287 = arith.constant 0 : i32
      %dma_wait3A_288 = tpu.memref_slice %arg5[%add3A_281, %dma_wait3A_287] : memref<200x128xi32, #tpu.memory_space<vmem>> -> memref<1x128xi32, #tpu.memory_space<vmem>>
      %dma_wait3A_289 = tpu.memref_squeeze %dma_wait3A_288 : memref<1x128xi32, #tpu.memory_space<vmem>> -> memref<128xi32, #tpu.memory_space<vmem>>
      %dma_wait3A_290 = arith.constant 0 : i32
      %dma_wait3A_291 = arith.constant 0 : i32
      %dma_wait3A_292 = tpu.memref_slice %arg2[%dma_wait3A_290, %dma_wait3A_291] : memref<52800x128xf32, #tpu.memory_space<hbm>> -> memref<52800x128xf32, #tpu.memory_space<hbm>>
      tpu.wait_indirect_dma semaphore(%arg8 : memref<!tpu.dma_semaphore, #tpu.memory_space<semaphore_mem>>) src(%dma_wait3A_292 : memref<52800x128xf32, #tpu.memory_space<hbm>>) dst(%dma_wait3A_286 : memref<128x128xf32, #tpu.memory_space<vmem>>)
      %mul3A_293 = arith.constant 128 : i32
      %mul3A_294 = arith.muli %add3A_281, %mul3A_293 : i32
      %add3A_295 = arith.addi %mul3A_2, %mul3A_294 : i32
      %multiple_of3A_296 = tpu.assume_multiple %add3A_295, 128 : i32
      %dma_start3A_297 = arith.constant 1 : i32
      %dma_start3A_298 = arith.constant 0 : i32
      %dma_start3A_299 = arith.constant 0 : i32
      %dma_start3A_300 = tpu.memref_slice %arg6[%dma_start3A_297, %dma_start3A_298, %dma_start3A_299] : memref<5x128x128xf32, #tpu.memory_space<vmem>> -> memref<1x128x128xf32, #tpu.memory_space<vmem>>
      %dma_start3A_301 = tpu.memref_squeeze %dma_start3A_300 : memref<1x128x128xf32, #tpu.memory_space<vmem>> -> memref<128x128xf32, #tpu.memory_space<vmem>>
      %dma_start3A_302 = arith.constant 0 : i32
      %dma_start3A_303 = tpu.memref_slice %arg4[%multiple_of3A_296, %dma_start3A_302] : memref<819200x128xf32, #tpu.memory_space<hbm>> -> memref<128x128xf32, #tpu.memory_space<hbm>>
      %dma_start3A_304 = arith.constant 0 : i32
      %dma_start3A_305 = tpu.memref_slice %arg4[%multiple_of3A_296, %dma_start3A_304] : memref<819200x128xf32, #tpu.memory_space<hbm>> -> memref<128x128xf32, #tpu.memory_space<hbm>>
      %dma_start3A_306 = arith.constant 0 : i32
      %dma_start3A_307 = arith.constant 0 : i32
      %dma_start3A_308 = tpu.memref_slice %arg6[%dma_start3A_297, %dma_start3A_306, %dma_start3A_307] : memref<5x128x128xf32, #tpu.memory_space<vmem>> -> memref<1x128x128xf32, #tpu.memory_space<vmem>>
      %dma_start3A_309 = tpu.memref_squeeze %dma_start3A_308 : memref<1x128x128xf32, #tpu.memory_space<vmem>> -> memref<128x128xf32, #tpu.memory_space<vmem>>
      tpu.enqueue_dma source(%dma_start3A_309 : memref<128x128xf32, #tpu.memory_space<vmem>>) target(%dma_start3A_305 : memref<128x128xf32, #tpu.memory_space<hbm>>) target_semaphore(%arg13 : memref<!tpu.dma_semaphore, #tpu.memory_space<semaphore_mem>>)
      %add3A_310 = arith.constant 5 : i32
      %add3A_311 = arith.addi %add3A_281, %add3A_310 : i32
      %sub3A = arith.constant 1 : i32
      %sub3A_312 = arith.subi %add3A_311, %sub3A : i32
      %multiple_of3A_313 = tpu.assume_multiple %mul3A_2, 128 : i32
      %dma_wait3A_314 = arith.constant 0 : i32
      %dma_wait3A_315 = arith.constant 0 : i32
      %dma_wait3A_316 = arith.constant 0 : i32
      %dma_wait3A_317 = tpu.memref_slice %arg6[%dma_wait3A_314, %dma_wait3A_315, %dma_wait3A_316] : memref<5x128x128xf32, #tpu.memory_space<vmem>> -> memref<1x128x128xf32, #tpu.memory_space<vmem>>
      %dma_wait3A_318 = tpu.memref_squeeze %dma_wait3A_317 : memref<1x128x128xf32, #tpu.memory_space<vmem>> -> memref<128x128xf32, #tpu.memory_space<vmem>>
      %dma_wait3A_319 = arith.constant 0 : i32
      %dma_wait3A_320 = tpu.memref_slice %arg4[%multiple_of3A_313, %dma_wait3A_319] : memref<819200x128xf32, #tpu.memory_space<hbm>> -> memref<128x128xf32, #tpu.memory_space<hbm>>
      %dma_wait3A_321 = arith.constant 0 : i32
      %dma_wait3A_322 = tpu.memref_slice %arg4[%multiple_of3A_313, %dma_wait3A_321] : memref<819200x128xf32, #tpu.memory_space<hbm>> -> memref<128x128xf32, #tpu.memory_space<hbm>>
      %dma_wait3A_323 = arith.constant 0 : i32
      %dma_wait3A_324 = arith.constant 0 : i32
      %dma_wait3A_325 = tpu.memref_slice %arg6[%dma_wait3A_314, %dma_wait3A_323, %dma_wait3A_324] : memref<5x128x128xf32, #tpu.memory_space<vmem>> -> memref<1x128x128xf32, #tpu.memory_space<vmem>>
      %dma_wait3A_326 = tpu.memref_squeeze %dma_wait3A_325 : memref<1x128x128xf32, #tpu.memory_space<vmem>> -> memref<128x128xf32, #tpu.memory_space<vmem>>
      tpu.wait_dma2 semaphore(%arg12 : memref<!tpu.dma_semaphore, #tpu.memory_space<semaphore_mem>>) src(%dma_wait3A_326 : memref<128x128xf32, #tpu.memory_space<vmem>>) dst(%dma_wait3A_322 : memref<128x128xf32, #tpu.memory_space<hbm>>)
      %dma_start3A_327 = arith.constant 0 : i32
      %dma_start3A_328 = arith.constant 0 : i32
      %dma_start3A_329 = arith.constant 0 : i32
      %dma_start3A_330 = tpu.memref_slice %arg6[%dma_start3A_327, %dma_start3A_328, %dma_start3A_329] : memref<5x128x128xf32, #tpu.memory_space<vmem>> -> memref<1x128x128xf32, #tpu.memory_space<vmem>>
      %dma_start3A_331 = tpu.memref_squeeze %dma_start3A_330 : memref<1x128x128xf32, #tpu.memory_space<vmem>> -> memref<128x128xf32, #tpu.memory_space<vmem>>
      %dma_start3A_332 = arith.constant 0 : i32
      %dma_start3A_333 = tpu.memref_slice %arg5[%sub3A_312, %dma_start3A_332] : memref<200x128xi32, #tpu.memory_space<vmem>> -> memref<1x128xi32, #tpu.memory_space<vmem>>
      %dma_start3A_334 = tpu.memref_squeeze %dma_start3A_333 : memref<1x128xi32, #tpu.memory_space<vmem>> -> memref<128xi32, #tpu.memory_space<vmem>>
      %dma_start3A_335 = arith.constant 0 : i32
      %dma_start3A_336 = arith.constant 0 : i32
      %dma_start3A_337 = tpu.memref_slice %arg2[%dma_start3A_335, %dma_start3A_336] : memref<52800x128xf32, #tpu.memory_space<hbm>> -> memref<52800x128xf32, #tpu.memory_space<hbm>>
      tpu.enqueue_indirect_dma source(%dma_start3A_337 : memref<52800x128xf32, #tpu.memory_space<hbm>>) target(%dma_start3A_331 : memref<128x128xf32, #tpu.memory_space<vmem>>) offsets(%dma_start3A_334 : memref<128xi32, #tpu.memory_space<vmem>>) semaphore(%arg7 : memref<!tpu.dma_semaphore, #tpu.memory_space<semaphore_mem>>)
      %add3A_338 = arith.constant 1 : i32
      %add3A_339 = arith.addi %add3A_279, %add3A_338 : i32
      %dma_wait3A_340 = arith.constant 2 : i32
      %dma_wait3A_341 = arith.constant 0 : i32
      %dma_wait3A_342 = arith.constant 0 : i32
      %dma_wait3A_343 = tpu.memref_slice %arg6[%dma_wait3A_340, %dma_wait3A_341, %dma_wait3A_342] : memref<5x128x128xf32, #tpu.memory_space<vmem>> -> memref<1x128x128xf32, #tpu.memory_space<vmem>>
      %dma_wait3A_344 = tpu.memref_squeeze %dma_wait3A_343 : memref<1x128x128xf32, #tpu.memory_space<vmem>> -> memref<128x128xf32, #tpu.memory_space<vmem>>
      %dma_wait3A_345 = arith.constant 0 : i32
      %dma_wait3A_346 = tpu.memref_slice %arg5[%add3A_339, %dma_wait3A_345] : memref<200x128xi32, #tpu.memory_space<vmem>> -> memref<1x128xi32, #tpu.memory_space<vmem>>
      %dma_wait3A_347 = tpu.memref_squeeze %dma_wait3A_346 : memref<1x128xi32, #tpu.memory_space<vmem>> -> memref<128xi32, #tpu.memory_space<vmem>>
      %dma_wait3A_348 = arith.constant 0 : i32
      %dma_wait3A_349 = arith.constant 0 : i32
      %dma_wait3A_350 = tpu.memref_slice %arg2[%dma_wait3A_348, %dma_wait3A_349] : memref<52800x128xf32, #tpu.memory_space<hbm>> -> memref<52800x128xf32, #tpu.memory_space<hbm>>
      tpu.wait_indirect_dma semaphore(%arg9 : memref<!tpu.dma_semaphore, #tpu.memory_space<semaphore_mem>>) src(%dma_wait3A_350 : memref<52800x128xf32, #tpu.memory_space<hbm>>) dst(%dma_wait3A_344 : memref<128x128xf32, #tpu.memory_space<vmem>>)
      %mul3A_351 = arith.constant 128 : i32
      %mul3A_352 = arith.muli %add3A_339, %mul3A_351 : i32
      %add3A_353 = arith.addi %mul3A_2, %mul3A_352 : i32
      %multiple_of3A_354 = tpu.assume_multiple %add3A_353, 128 : i32
      %dma_start3A_355 = arith.constant 2 : i32
      %dma_start3A_356 = arith.constant 0 : i32
      %dma_start3A_357 = arith.constant 0 : i32
      %dma_start3A_358 = tpu.memref_slice %arg6[%dma_start3A_355, %dma_start3A_356, %dma_start3A_357] : memref<5x128x128xf32, #tpu.memory_space<vmem>> -> memref<1x128x128xf32, #tpu.memory_space<vmem>>
      %dma_start3A_359 = tpu.memref_squeeze %dma_start3A_358 : memref<1x128x128xf32, #tpu.memory_space<vmem>> -> memref<128x128xf32, #tpu.memory_space<vmem>>
      %dma_start3A_360 = arith.constant 0 : i32
      %dma_start3A_361 = tpu.memref_slice %arg4[%multiple_of3A_354, %dma_start3A_360] : memref<819200x128xf32, #tpu.memory_space<hbm>> -> memref<128x128xf32, #tpu.memory_space<hbm>>
      %dma_start3A_362 = arith.constant 0 : i32
      %dma_start3A_363 = tpu.memref_slice %arg4[%multiple_of3A_354, %dma_start3A_362] : memref<819200x128xf32, #tpu.memory_space<hbm>> -> memref<128x128xf32, #tpu.memory_space<hbm>>
      %dma_start3A_364 = arith.constant 0 : i32
      %dma_start3A_365 = arith.constant 0 : i32
      %dma_start3A_366 = tpu.memref_slice %arg6[%dma_start3A_355, %dma_start3A_364, %dma_start3A_365] : memref<5x128x128xf32, #tpu.memory_space<vmem>> -> memref<1x128x128xf32, #tpu.memory_space<vmem>>
      %dma_start3A_367 = tpu.memref_squeeze %dma_start3A_366 : memref<1x128x128xf32, #tpu.memory_space<vmem>> -> memref<128x128xf32, #tpu.memory_space<vmem>>
      tpu.enqueue_dma source(%dma_start3A_367 : memref<128x128xf32, #tpu.memory_space<vmem>>) target(%dma_start3A_363 : memref<128x128xf32, #tpu.memory_space<hbm>>) target_semaphore(%arg14 : memref<!tpu.dma_semaphore, #tpu.memory_space<semaphore_mem>>)
      %add3A_368 = arith.constant 5 : i32
      %add3A_369 = arith.addi %add3A_339, %add3A_368 : i32
      %sub3A_370 = arith.constant 1 : i32
      %sub3A_371 = arith.subi %add3A_369, %sub3A_370 : i32
      %multiple_of3A_372 = tpu.assume_multiple %mul3A_2, 128 : i32
      %dma_wait3A_373 = arith.constant 1 : i32
      %dma_wait3A_374 = arith.constant 0 : i32
      %dma_wait3A_375 = arith.constant 0 : i32
      %dma_wait3A_376 = tpu.memref_slice %arg6[%dma_wait3A_373, %dma_wait3A_374, %dma_wait3A_375] : memref<5x128x128xf32, #tpu.memory_space<vmem>> -> memref<1x128x128xf32, #tpu.memory_space<vmem>>
      %dma_wait3A_377 = tpu.memref_squeeze %dma_wait3A_376 : memref<1x128x128xf32, #tpu.memory_space<vmem>> -> memref<128x128xf32, #tpu.memory_space<vmem>>
      %dma_wait3A_378 = arith.constant 0 : i32
      %dma_wait3A_379 = tpu.memref_slice %arg4[%multiple_of3A_372, %dma_wait3A_378] : memref<819200x128xf32, #tpu.memory_space<hbm>> -> memref<128x128xf32, #tpu.memory_space<hbm>>
      %dma_wait3A_380 = arith.constant 0 : i32
      %dma_wait3A_381 = tpu.memref_slice %arg4[%multiple_of3A_372, %dma_wait3A_380] : memref<819200x128xf32, #tpu.memory_space<hbm>> -> memref<128x128xf32, #tpu.memory_space<hbm>>
      %dma_wait3A_382 = arith.constant 0 : i32
      %dma_wait3A_383 = arith.constant 0 : i32
      %dma_wait3A_384 = tpu.memref_slice %arg6[%dma_wait3A_373, %dma_wait3A_382, %dma_wait3A_383] : memref<5x128x128xf32, #tpu.memory_space<vmem>> -> memref<1x128x128xf32, #tpu.memory_space<vmem>>
      %dma_wait3A_385 = tpu.memref_squeeze %dma_wait3A_384 : memref<1x128x128xf32, #tpu.memory_space<vmem>> -> memref<128x128xf32, #tpu.memory_space<vmem>>
      tpu.wait_dma2 semaphore(%arg13 : memref<!tpu.dma_semaphore, #tpu.memory_space<semaphore_mem>>) src(%dma_wait3A_385 : memref<128x128xf32, #tpu.memory_space<vmem>>) dst(%dma_wait3A_381 : memref<128x128xf32, #tpu.memory_space<hbm>>)
      %dma_start3A_386 = arith.constant 1 : i32
      %dma_start3A_387 = arith.constant 0 : i32
      %dma_start3A_388 = arith.constant 0 : i32
      %dma_start3A_389 = tpu.memref_slice %arg6[%dma_start3A_386, %dma_start3A_387, %dma_start3A_388] : memref<5x128x128xf32, #tpu.memory_space<vmem>> -> memref<1x128x128xf32, #tpu.memory_space<vmem>>
      %dma_start3A_390 = tpu.memref_squeeze %dma_start3A_389 : memref<1x128x128xf32, #tpu.memory_space<vmem>> -> memref<128x128xf32, #tpu.memory_space<vmem>>
      %dma_start3A_391 = arith.constant 0 : i32
      %dma_start3A_392 = tpu.memref_slice %arg5[%sub3A_371, %dma_start3A_391] : memref<200x128xi32, #tpu.memory_space<vmem>> -> memref<1x128xi32, #tpu.memory_space<vmem>>
      %dma_start3A_393 = tpu.memref_squeeze %dma_start3A_392 : memref<1x128xi32, #tpu.memory_space<vmem>> -> memref<128xi32, #tpu.memory_space<vmem>>
      %dma_start3A_394 = arith.constant 0 : i32
      %dma_start3A_395 = arith.constant 0 : i32
      %dma_start3A_396 = tpu.memref_slice %arg2[%dma_start3A_394, %dma_start3A_395] : memref<52800x128xf32, #tpu.memory_space<hbm>> -> memref<52800x128xf32, #tpu.memory_space<hbm>>
      tpu.enqueue_indirect_dma source(%dma_start3A_396 : memref<52800x128xf32, #tpu.memory_space<hbm>>) target(%dma_start3A_390 : memref<128x128xf32, #tpu.memory_space<vmem>>) offsets(%dma_start3A_393 : memref<128xi32, #tpu.memory_space<vmem>>) semaphore(%arg8 : memref<!tpu.dma_semaphore, #tpu.memory_space<semaphore_mem>>)
      %add3A_397 = arith.constant 2 : i32
      %add3A_398 = arith.addi %add3A_279, %add3A_397 : i32
      %dma_wait3A_399 = arith.constant 3 : i32
      %dma_wait3A_400 = arith.constant 0 : i32
      %dma_wait3A_401 = arith.constant 0 : i32
      %dma_wait3A_402 = tpu.memref_slice %arg6[%dma_wait3A_399, %dma_wait3A_400, %dma_wait3A_401] : memref<5x128x128xf32, #tpu.memory_space<vmem>> -> memref<1x128x128xf32, #tpu.memory_space<vmem>>
      %dma_wait3A_403 = tpu.memref_squeeze %dma_wait3A_402 : memref<1x128x128xf32, #tpu.memory_space<vmem>> -> memref<128x128xf32, #tpu.memory_space<vmem>>
      %dma_wait3A_404 = arith.constant 0 : i32
      %dma_wait3A_405 = tpu.memref_slice %arg5[%add3A_398, %dma_wait3A_404] : memref<200x128xi32, #tpu.memory_space<vmem>> -> memref<1x128xi32, #tpu.memory_space<vmem>>
      %dma_wait3A_406 = tpu.memref_squeeze %dma_wait3A_405 : memref<1x128xi32, #tpu.memory_space<vmem>> -> memref<128xi32, #tpu.memory_space<vmem>>
      %dma_wait3A_407 = arith.constant 0 : i32
      %dma_wait3A_408 = arith.constant 0 : i32
      %dma_wait3A_409 = tpu.memref_slice %arg2[%dma_wait3A_407, %dma_wait3A_408] : memref<52800x128xf32, #tpu.memory_space<hbm>> -> memref<52800x128xf32, #tpu.memory_space<hbm>>
      tpu.wait_indirect_dma semaphore(%arg10 : memref<!tpu.dma_semaphore, #tpu.memory_space<semaphore_mem>>) src(%dma_wait3A_409 : memref<52800x128xf32, #tpu.memory_space<hbm>>) dst(%dma_wait3A_403 : memref<128x128xf32, #tpu.memory_space<vmem>>)
      %mul3A_410 = arith.constant 128 : i32
      %mul3A_411 = arith.muli %add3A_398, %mul3A_410 : i32
      %add3A_412 = arith.addi %mul3A_2, %mul3A_411 : i32
      %multiple_of3A_413 = tpu.assume_multiple %add3A_412, 128 : i32
      %dma_start3A_414 = arith.constant 3 : i32
      %dma_start3A_415 = arith.constant 0 : i32
      %dma_start3A_416 = arith.constant 0 : i32
      %dma_start3A_417 = tpu.memref_slice %arg6[%dma_start3A_414, %dma_start3A_415, %dma_start3A_416] : memref<5x128x128xf32, #tpu.memory_space<vmem>> -> memref<1x128x128xf32, #tpu.memory_space<vmem>>
      %dma_start3A_418 = tpu.memref_squeeze %dma_start3A_417 : memref<1x128x128xf32, #tpu.memory_space<vmem>> -> memref<128x128xf32, #tpu.memory_space<vmem>>
      %dma_start3A_419 = arith.constant 0 : i32
      %dma_start3A_420 = tpu.memref_slice %arg4[%multiple_of3A_413, %dma_start3A_419] : memref<819200x128xf32, #tpu.memory_space<hbm>> -> memref<128x128xf32, #tpu.memory_space<hbm>>
      %dma_start3A_421 = arith.constant 0 : i32
      %dma_start3A_422 = tpu.memref_slice %arg4[%multiple_of3A_413, %dma_start3A_421] : memref<819200x128xf32, #tpu.memory_space<hbm>> -> memref<128x128xf32, #tpu.memory_space<hbm>>
      %dma_start3A_423 = arith.constant 0 : i32
      %dma_start3A_424 = arith.constant 0 : i32
      %dma_start3A_425 = tpu.memref_slice %arg6[%dma_start3A_414, %dma_start3A_423, %dma_start3A_424] : memref<5x128x128xf32, #tpu.memory_space<vmem>> -> memref<1x128x128xf32, #tpu.memory_space<vmem>>
      %dma_start3A_426 = tpu.memref_squeeze %dma_start3A_425 : memref<1x128x128xf32, #tpu.memory_space<vmem>> -> memref<128x128xf32, #tpu.memory_space<vmem>>
      tpu.enqueue_dma source(%dma_start3A_426 : memref<128x128xf32, #tpu.memory_space<vmem>>) target(%dma_start3A_422 : memref<128x128xf32, #tpu.memory_space<hbm>>) target_semaphore(%arg15 : memref<!tpu.dma_semaphore, #tpu.memory_space<semaphore_mem>>)
      %add3A_427 = arith.constant 5 : i32
      %add3A_428 = arith.addi %add3A_398, %add3A_427 : i32
      %sub3A_429 = arith.constant 1 : i32
      %sub3A_430 = arith.subi %add3A_428, %sub3A_429 : i32
      %multiple_of3A_431 = tpu.assume_multiple %mul3A_2, 128 : i32
      %dma_wait3A_432 = arith.constant 2 : i32
      %dma_wait3A_433 = arith.constant 0 : i32
      %dma_wait3A_434 = arith.constant 0 : i32
      %dma_wait3A_435 = tpu.memref_slice %arg6[%dma_wait3A_432, %dma_wait3A_433, %dma_wait3A_434] : memref<5x128x128xf32, #tpu.memory_space<vmem>> -> memref<1x128x128xf32, #tpu.memory_space<vmem>>
      %dma_wait3A_436 = tpu.memref_squeeze %dma_wait3A_435 : memref<1x128x128xf32, #tpu.memory_space<vmem>> -> memref<128x128xf32, #tpu.memory_space<vmem>>
      %dma_wait3A_437 = arith.constant 0 : i32
      %dma_wait3A_438 = tpu.memref_slice %arg4[%multiple_of3A_431, %dma_wait3A_437] : memref<819200x128xf32, #tpu.memory_space<hbm>> -> memref<128x128xf32, #tpu.memory_space<hbm>>
      %dma_wait3A_439 = arith.constant 0 : i32
      %dma_wait3A_440 = tpu.memref_slice %arg4[%multiple_of3A_431, %dma_wait3A_439] : memref<819200x128xf32, #tpu.memory_space<hbm>> -> memref<128x128xf32, #tpu.memory_space<hbm>>
      %dma_wait3A_441 = arith.constant 0 : i32
      %dma_wait3A_442 = arith.constant 0 : i32
      %dma_wait3A_443 = tpu.memref_slice %arg6[%dma_wait3A_432, %dma_wait3A_441, %dma_wait3A_442] : memref<5x128x128xf32, #tpu.memory_space<vmem>> -> memref<1x128x128xf32, #tpu.memory_space<vmem>>
      %dma_wait3A_444 = tpu.memref_squeeze %dma_wait3A_443 : memref<1x128x128xf32, #tpu.memory_space<vmem>> -> memref<128x128xf32, #tpu.memory_space<vmem>>
      tpu.wait_dma2 semaphore(%arg14 : memref<!tpu.dma_semaphore, #tpu.memory_space<semaphore_mem>>) src(%dma_wait3A_444 : memref<128x128xf32, #tpu.memory_space<vmem>>) dst(%dma_wait3A_440 : memref<128x128xf32, #tpu.memory_space<hbm>>)
      %dma_start3A_445 = arith.constant 2 : i32
      %dma_start3A_446 = arith.constant 0 : i32
      %dma_start3A_447 = arith.constant 0 : i32
      %dma_start3A_448 = tpu.memref_slice %arg6[%dma_start3A_445, %dma_start3A_446, %dma_start3A_447] : memref<5x128x128xf32, #tpu.memory_space<vmem>> -> memref<1x128x128xf32, #tpu.memory_space<vmem>>
      %dma_start3A_449 = tpu.memref_squeeze %dma_start3A_448 : memref<1x128x128xf32, #tpu.memory_space<vmem>> -> memref<128x128xf32, #tpu.memory_space<vmem>>
      %dma_start3A_450 = arith.constant 0 : i32
      %dma_start3A_451 = tpu.memref_slice %arg5[%sub3A_430, %dma_start3A_450] : memref<200x128xi32, #tpu.memory_space<vmem>> -> memref<1x128xi32, #tpu.memory_space<vmem>>
      %dma_start3A_452 = tpu.memref_squeeze %dma_start3A_451 : memref<1x128xi32, #tpu.memory_space<vmem>> -> memref<128xi32, #tpu.memory_space<vmem>>
      %dma_start3A_453 = arith.constant 0 : i32
      %dma_start3A_454 = arith.constant 0 : i32
      %dma_start3A_455 = tpu.memref_slice %arg2[%dma_start3A_453, %dma_start3A_454] : memref<52800x128xf32, #tpu.memory_space<hbm>> -> memref<52800x128xf32, #tpu.memory_space<hbm>>
      tpu.enqueue_indirect_dma source(%dma_start3A_455 : memref<52800x128xf32, #tpu.memory_space<hbm>>) target(%dma_start3A_449 : memref<128x128xf32, #tpu.memory_space<vmem>>) offsets(%dma_start3A_452 : memref<128xi32, #tpu.memory_space<vmem>>) semaphore(%arg9 : memref<!tpu.dma_semaphore, #tpu.memory_space<semaphore_mem>>)
      %add3A_456 = arith.constant 3 : i32
      %add3A_457 = arith.addi %add3A_279, %add3A_456 : i32
      %dma_wait3A_458 = arith.constant 4 : i32
      %dma_wait3A_459 = arith.constant 0 : i32
      %dma_wait3A_460 = arith.constant 0 : i32
      %dma_wait3A_461 = tpu.memref_slice %arg6[%dma_wait3A_458, %dma_wait3A_459, %dma_wait3A_460] : memref<5x128x128xf32, #tpu.memory_space<vmem>> -> memref<1x128x128xf32, #tpu.memory_space<vmem>>
      %dma_wait3A_462 = tpu.memref_squeeze %dma_wait3A_461 : memref<1x128x128xf32, #tpu.memory_space<vmem>> -> memref<128x128xf32, #tpu.memory_space<vmem>>
      %dma_wait3A_463 = arith.constant 0 : i32
      %dma_wait3A_464 = tpu.memref_slice %arg5[%add3A_457, %dma_wait3A_463] : memref<200x128xi32, #tpu.memory_space<vmem>> -> memref<1x128xi32, #tpu.memory_space<vmem>>
      %dma_wait3A_465 = tpu.memref_squeeze %dma_wait3A_464 : memref<1x128xi32, #tpu.memory_space<vmem>> -> memref<128xi32, #tpu.memory_space<vmem>>
      %dma_wait3A_466 = arith.constant 0 : i32
      %dma_wait3A_467 = arith.constant 0 : i32
      %dma_wait3A_468 = tpu.memref_slice %arg2[%dma_wait3A_466, %dma_wait3A_467] : memref<52800x128xf32, #tpu.memory_space<hbm>> -> memref<52800x128xf32, #tpu.memory_space<hbm>>
      tpu.wait_indirect_dma semaphore(%arg11 : memref<!tpu.dma_semaphore, #tpu.memory_space<semaphore_mem>>) src(%dma_wait3A_468 : memref<52800x128xf32, #tpu.memory_space<hbm>>) dst(%dma_wait3A_462 : memref<128x128xf32, #tpu.memory_space<vmem>>)
      %mul3A_469 = arith.constant 128 : i32
      %mul3A_470 = arith.muli %add3A_457, %mul3A_469 : i32
      %add3A_471 = arith.addi %mul3A_2, %mul3A_470 : i32
      %multiple_of3A_472 = tpu.assume_multiple %add3A_471, 128 : i32
      %dma_start3A_473 = arith.constant 4 : i32
      %dma_start3A_474 = arith.constant 0 : i32
      %dma_start3A_475 = arith.constant 0 : i32
      %dma_start3A_476 = tpu.memref_slice %arg6[%dma_start3A_473, %dma_start3A_474, %dma_start3A_475] : memref<5x128x128xf32, #tpu.memory_space<vmem>> -> memref<1x128x128xf32, #tpu.memory_space<vmem>>
      %dma_start3A_477 = tpu.memref_squeeze %dma_start3A_476 : memref<1x128x128xf32, #tpu.memory_space<vmem>> -> memref<128x128xf32, #tpu.memory_space<vmem>>
      %dma_start3A_478 = arith.constant 0 : i32
      %dma_start3A_479 = tpu.memref_slice %arg4[%multiple_of3A_472, %dma_start3A_478] : memref<819200x128xf32, #tpu.memory_space<hbm>> -> memref<128x128xf32, #tpu.memory_space<hbm>>
      %dma_start3A_480 = arith.constant 0 : i32
      %dma_start3A_481 = tpu.memref_slice %arg4[%multiple_of3A_472, %dma_start3A_480] : memref<819200x128xf32, #tpu.memory_space<hbm>> -> memref<128x128xf32, #tpu.memory_space<hbm>>
      %dma_start3A_482 = arith.constant 0 : i32
      %dma_start3A_483 = arith.constant 0 : i32
      %dma_start3A_484 = tpu.memref_slice %arg6[%dma_start3A_473, %dma_start3A_482, %dma_start3A_483] : memref<5x128x128xf32, #tpu.memory_space<vmem>> -> memref<1x128x128xf32, #tpu.memory_space<vmem>>
      %dma_start3A_485 = tpu.memref_squeeze %dma_start3A_484 : memref<1x128x128xf32, #tpu.memory_space<vmem>> -> memref<128x128xf32, #tpu.memory_space<vmem>>
      tpu.enqueue_dma source(%dma_start3A_485 : memref<128x128xf32, #tpu.memory_space<vmem>>) target(%dma_start3A_481 : memref<128x128xf32, #tpu.memory_space<hbm>>) target_semaphore(%arg16 : memref<!tpu.dma_semaphore, #tpu.memory_space<semaphore_mem>>)
      %add3A_486 = arith.constant 5 : i32
      %add3A_487 = arith.addi %add3A_457, %add3A_486 : i32
      %sub3A_488 = arith.constant 1 : i32
      %sub3A_489 = arith.subi %add3A_487, %sub3A_488 : i32
      %multiple_of3A_490 = tpu.assume_multiple %mul3A_2, 128 : i32
      %dma_wait3A_491 = arith.constant 3 : i32
      %dma_wait3A_492 = arith.constant 0 : i32
      %dma_wait3A_493 = arith.constant 0 : i32
      %dma_wait3A_494 = tpu.memref_slice %arg6[%dma_wait3A_491, %dma_wait3A_492, %dma_wait3A_493] : memref<5x128x128xf32, #tpu.memory_space<vmem>> -> memref<1x128x128xf32, #tpu.memory_space<vmem>>
      %dma_wait3A_495 = tpu.memref_squeeze %dma_wait3A_494 : memref<1x128x128xf32, #tpu.memory_space<vmem>> -> memref<128x128xf32, #tpu.memory_space<vmem>>
      %dma_wait3A_496 = arith.constant 0 : i32
      %dma_wait3A_497 = tpu.memref_slice %arg4[%multiple_of3A_490, %dma_wait3A_496] : memref<819200x128xf32, #tpu.memory_space<hbm>> -> memref<128x128xf32, #tpu.memory_space<hbm>>
      %dma_wait3A_498 = arith.constant 0 : i32
      %dma_wait3A_499 = tpu.memref_slice %arg4[%multiple_of3A_490, %dma_wait3A_498] : memref<819200x128xf32, #tpu.memory_space<hbm>> -> memref<128x128xf32, #tpu.memory_space<hbm>>
      %dma_wait3A_500 = arith.constant 0 : i32
      %dma_wait3A_501 = arith.constant 0 : i32
      %dma_wait3A_502 = tpu.memref_slice %arg6[%dma_wait3A_491, %dma_wait3A_500, %dma_wait3A_501] : memref<5x128x128xf32, #tpu.memory_space<vmem>> -> memref<1x128x128xf32, #tpu.memory_space<vmem>>
      %dma_wait3A_503 = tpu.memref_squeeze %dma_wait3A_502 : memref<1x128x128xf32, #tpu.memory_space<vmem>> -> memref<128x128xf32, #tpu.memory_space<vmem>>
      tpu.wait_dma2 semaphore(%arg15 : memref<!tpu.dma_semaphore, #tpu.memory_space<semaphore_mem>>) src(%dma_wait3A_503 : memref<128x128xf32, #tpu.memory_space<vmem>>) dst(%dma_wait3A_499 : memref<128x128xf32, #tpu.memory_space<hbm>>)
      %dma_start3A_504 = arith.constant 3 : i32
      %dma_start3A_505 = arith.constant 0 : i32
      %dma_start3A_506 = arith.constant 0 : i32
      %dma_start3A_507 = tpu.memref_slice %arg6[%dma_start3A_504, %dma_start3A_505, %dma_start3A_506] : memref<5x128x128xf32, #tpu.memory_space<vmem>> -> memref<1x128x128xf32, #tpu.memory_space<vmem>>
      %dma_start3A_508 = tpu.memref_squeeze %dma_start3A_507 : memref<1x128x128xf32, #tpu.memory_space<vmem>> -> memref<128x128xf32, #tpu.memory_space<vmem>>
      %dma_start3A_509 = arith.constant 0 : i32
      %dma_start3A_510 = tpu.memref_slice %arg5[%sub3A_489, %dma_start3A_509] : memref<200x128xi32, #tpu.memory_space<vmem>> -> memref<1x128xi32, #tpu.memory_space<vmem>>
      %dma_start3A_511 = tpu.memref_squeeze %dma_start3A_510 : memref<1x128xi32, #tpu.memory_space<vmem>> -> memref<128xi32, #tpu.memory_space<vmem>>
      %dma_start3A_512 = arith.constant 0 : i32
      %dma_start3A_513 = arith.constant 0 : i32
      %dma_start3A_514 = tpu.memref_slice %arg2[%dma_start3A_512, %dma_start3A_513] : memref<52800x128xf32, #tpu.memory_space<hbm>> -> memref<52800x128xf32, #tpu.memory_space<hbm>>
      tpu.enqueue_indirect_dma source(%dma_start3A_514 : memref<52800x128xf32, #tpu.memory_space<hbm>>) target(%dma_start3A_508 : memref<128x128xf32, #tpu.memory_space<vmem>>) offsets(%dma_start3A_511 : memref<128xi32, #tpu.memory_space<vmem>>) semaphore(%arg10 : memref<!tpu.dma_semaphore, #tpu.memory_space<semaphore_mem>>)
      %add3A_515 = arith.constant 4 : i32
      %add3A_516 = arith.addi %add3A_279, %add3A_515 : i32
      %dma_wait3A_517 = arith.constant 0 : i32
      %dma_wait3A_518 = arith.constant 0 : i32
      %dma_wait3A_519 = arith.constant 0 : i32
      %dma_wait3A_520 = tpu.memref_slice %arg6[%dma_wait3A_517, %dma_wait3A_518, %dma_wait3A_519] : memref<5x128x128xf32, #tpu.memory_space<vmem>> -> memref<1x128x128xf32, #tpu.memory_space<vmem>>
      %dma_wait3A_521 = tpu.memref_squeeze %dma_wait3A_520 : memref<1x128x128xf32, #tpu.memory_space<vmem>> -> memref<128x128xf32, #tpu.memory_space<vmem>>
      %dma_wait3A_522 = arith.constant 0 : i32
      %dma_wait3A_523 = tpu.memref_slice %arg5[%add3A_516, %dma_wait3A_522] : memref<200x128xi32, #tpu.memory_space<vmem>> -> memref<1x128xi32, #tpu.memory_space<vmem>>
      %dma_wait3A_524 = tpu.memref_squeeze %dma_wait3A_523 : memref<1x128xi32, #tpu.memory_space<vmem>> -> memref<128xi32, #tpu.memory_space<vmem>>
      %dma_wait3A_525 = arith.constant 0 : i32
      %dma_wait3A_526 = arith.constant 0 : i32
      %dma_wait3A_527 = tpu.memref_slice %arg2[%dma_wait3A_525, %dma_wait3A_526] : memref<52800x128xf32, #tpu.memory_space<hbm>> -> memref<52800x128xf32, #tpu.memory_space<hbm>>
      tpu.wait_indirect_dma semaphore(%arg7 : memref<!tpu.dma_semaphore, #tpu.memory_space<semaphore_mem>>) src(%dma_wait3A_527 : memref<52800x128xf32, #tpu.memory_space<hbm>>) dst(%dma_wait3A_521 : memref<128x128xf32, #tpu.memory_space<vmem>>)
      %mul3A_528 = arith.constant 128 : i32
      %mul3A_529 = arith.muli %add3A_516, %mul3A_528 : i32
      %add3A_530 = arith.addi %mul3A_2, %mul3A_529 : i32
      %multiple_of3A_531 = tpu.assume_multiple %add3A_530, 128 : i32
      %dma_start3A_532 = arith.constant 0 : i32
      %dma_start3A_533 = arith.constant 0 : i32
      %dma_start3A_534 = arith.constant 0 : i32
      %dma_start3A_535 = tpu.memref_slice %arg6[%dma_start3A_532, %dma_start3A_533, %dma_start3A_534] : memref<5x128x128xf32, #tpu.memory_space<vmem>> -> memref<1x128x128xf32, #tpu.memory_space<vmem>>
      %dma_start3A_536 = tpu.memref_squeeze %dma_start3A_535 : memref<1x128x128xf32, #tpu.memory_space<vmem>> -> memref<128x128xf32, #tpu.memory_space<vmem>>
      %dma_start3A_537 = arith.constant 0 : i32
      %dma_start3A_538 = tpu.memref_slice %arg4[%multiple_of3A_531, %dma_start3A_537] : memref<819200x128xf32, #tpu.memory_space<hbm>> -> memref<128x128xf32, #tpu.memory_space<hbm>>
      %dma_start3A_539 = arith.constant 0 : i32
      %dma_start3A_540 = tpu.memref_slice %arg4[%multiple_of3A_531, %dma_start3A_539] : memref<819200x128xf32, #tpu.memory_space<hbm>> -> memref<128x128xf32, #tpu.memory_space<hbm>>
      %dma_start3A_541 = arith.constant 0 : i32
      %dma_start3A_542 = arith.constant 0 : i32
      %dma_start3A_543 = tpu.memref_slice %arg6[%dma_start3A_532, %dma_start3A_541, %dma_start3A_542] : memref<5x128x128xf32, #tpu.memory_space<vmem>> -> memref<1x128x128xf32, #tpu.memory_space<vmem>>
      %dma_start3A_544 = tpu.memref_squeeze %dma_start3A_543 : memref<1x128x128xf32, #tpu.memory_space<vmem>> -> memref<128x128xf32, #tpu.memory_space<vmem>>
      tpu.enqueue_dma source(%dma_start3A_544 : memref<128x128xf32, #tpu.memory_space<vmem>>) target(%dma_start3A_540 : memref<128x128xf32, #tpu.memory_space<hbm>>) target_semaphore(%arg12 : memref<!tpu.dma_semaphore, #tpu.memory_space<semaphore_mem>>)
      %add3A_545 = arith.constant 5 : i32
      %add3A_546 = arith.addi %add3A_516, %add3A_545 : i32
      %sub3A_547 = arith.constant 1 : i32
      %sub3A_548 = arith.subi %add3A_546, %sub3A_547 : i32
      %multiple_of3A_549 = tpu.assume_multiple %mul3A_2, 128 : i32
      %dma_wait3A_550 = arith.constant 4 : i32
      %dma_wait3A_551 = arith.constant 0 : i32
      %dma_wait3A_552 = arith.constant 0 : i32
      %dma_wait3A_553 = tpu.memref_slice %arg6[%dma_wait3A_550, %dma_wait3A_551, %dma_wait3A_552] : memref<5x128x128xf32, #tpu.memory_space<vmem>> -> memref<1x128x128xf32, #tpu.memory_space<vmem>>
      %dma_wait3A_554 = tpu.memref_squeeze %dma_wait3A_553 : memref<1x128x128xf32, #tpu.memory_space<vmem>> -> memref<128x128xf32, #tpu.memory_space<vmem>>
      %dma_wait3A_555 = arith.constant 0 : i32
      %dma_wait3A_556 = tpu.memref_slice %arg4[%multiple_of3A_549, %dma_wait3A_555] : memref<819200x128xf32, #tpu.memory_space<hbm>> -> memref<128x128xf32, #tpu.memory_space<hbm>>
      %dma_wait3A_557 = arith.constant 0 : i32
      %dma_wait3A_558 = tpu.memref_slice %arg4[%multiple_of3A_549, %dma_wait3A_557] : memref<819200x128xf32, #tpu.memory_space<hbm>> -> memref<128x128xf32, #tpu.memory_space<hbm>>
      %dma_wait3A_559 = arith.constant 0 : i32
      %dma_wait3A_560 = arith.constant 0 : i32
      %dma_wait3A_561 = tpu.memref_slice %arg6[%dma_wait3A_550, %dma_wait3A_559, %dma_wait3A_560] : memref<5x128x128xf32, #tpu.memory_space<vmem>> -> memref<1x128x128xf32, #tpu.memory_space<vmem>>
      %dma_wait3A_562 = tpu.memref_squeeze %dma_wait3A_561 : memref<1x128x128xf32, #tpu.memory_space<vmem>> -> memref<128x128xf32, #tpu.memory_space<vmem>>
      tpu.wait_dma2 semaphore(%arg16 : memref<!tpu.dma_semaphore, #tpu.memory_space<semaphore_mem>>) src(%dma_wait3A_562 : memref<128x128xf32, #tpu.memory_space<vmem>>) dst(%dma_wait3A_558 : memref<128x128xf32, #tpu.memory_space<hbm>>)
      %dma_start3A_563 = arith.constant 4 : i32
      %dma_start3A_564 = arith.constant 0 : i32
      %dma_start3A_565 = arith.constant 0 : i32
      %dma_start3A_566 = tpu.memref_slice %arg6[%dma_start3A_563, %dma_start3A_564, %dma_start3A_565] : memref<5x128x128xf32, #tpu.memory_space<vmem>> -> memref<1x128x128xf32, #tpu.memory_space<vmem>>
      %dma_start3A_567 = tpu.memref_squeeze %dma_start3A_566 : memref<1x128x128xf32, #tpu.memory_space<vmem>> -> memref<128x128xf32, #tpu.memory_space<vmem>>
      %dma_start3A_568 = arith.constant 0 : i32
      %dma_start3A_569 = tpu.memref_slice %arg5[%sub3A_548, %dma_start3A_568] : memref<200x128xi32, #tpu.memory_space<vmem>> -> memref<1x128xi32, #tpu.memory_space<vmem>>
      %dma_start3A_570 = tpu.memref_squeeze %dma_start3A_569 : memref<1x128xi32, #tpu.memory_space<vmem>> -> memref<128xi32, #tpu.memory_space<vmem>>
      %dma_start3A_571 = arith.constant 0 : i32
      %dma_start3A_572 = arith.constant 0 : i32
      %dma_start3A_573 = tpu.memref_slice %arg2[%dma_start3A_571, %dma_start3A_572] : memref<52800x128xf32, #tpu.memory_space<hbm>> -> memref<52800x128xf32, #tpu.memory_space<hbm>>
      tpu.enqueue_indirect_dma source(%dma_start3A_573 : memref<52800x128xf32, #tpu.memory_space<hbm>>) target(%dma_start3A_567 : memref<128x128xf32, #tpu.memory_space<vmem>>) offsets(%dma_start3A_570 : memref<128xi32, #tpu.memory_space<vmem>>) semaphore(%arg11 : memref<!tpu.dma_semaphore, #tpu.memory_space<semaphore_mem>>)
    }
    %scan3A_92 = arith.constant 39 : i32
    %dma_wait3A_93 = arith.constant 196 : i32
    %dma_wait3A_94 = arith.constant 1 : i32
    %dma_wait3A_95 = arith.constant 0 : i32
    %dma_wait3A_96 = arith.constant 0 : i32
    %dma_wait3A_97 = tpu.memref_slice %arg6[%dma_wait3A_94, %dma_wait3A_95, %dma_wait3A_96] : memref<5x128x128xf32, #tpu.memory_space<vmem>> -> memref<1x128x128xf32, #tpu.memory_space<vmem>>
    %dma_wait3A_98 = tpu.memref_squeeze %dma_wait3A_97 : memref<1x128x128xf32, #tpu.memory_space<vmem>> -> memref<128x128xf32, #tpu.memory_space<vmem>>
    %dma_wait3A_99 = arith.constant 0 : i32
    %dma_wait3A_100 = tpu.memref_slice %arg5[%dma_wait3A_93, %dma_wait3A_99] : memref<200x128xi32, #tpu.memory_space<vmem>> -> memref<1x128xi32, #tpu.memory_space<vmem>>
    %dma_wait3A_101 = tpu.memref_squeeze %dma_wait3A_100 : memref<1x128xi32, #tpu.memory_space<vmem>> -> memref<128xi32, #tpu.memory_space<vmem>>
    %dma_wait3A_102 = arith.constant 0 : i32
    %dma_wait3A_103 = arith.constant 0 : i32
    %dma_wait3A_104 = tpu.memref_slice %arg2[%dma_wait3A_102, %dma_wait3A_103] : memref<52800x128xf32, #tpu.memory_space<hbm>> -> memref<52800x128xf32, #tpu.memory_space<hbm>>
    tpu.wait_indirect_dma semaphore(%arg8 : memref<!tpu.dma_semaphore, #tpu.memory_space<semaphore_mem>>) src(%dma_wait3A_104 : memref<52800x128xf32, #tpu.memory_space<hbm>>) dst(%dma_wait3A_98 : memref<128x128xf32, #tpu.memory_space<vmem>>)
    %add3A_105 = arith.constant 25088 : i32
    %add3A_106 = arith.addi %mul3A_2, %add3A_105 : i32
    %multiple_of3A_107 = tpu.assume_multiple %add3A_106, 128 : i32
    %dma_start3A_108 = arith.constant 1 : i32
    %dma_start3A_109 = arith.constant 0 : i32
    %dma_start3A_110 = arith.constant 0 : i32
    %dma_start3A_111 = tpu.memref_slice %arg6[%dma_start3A_108, %dma_start3A_109, %dma_start3A_110] : memref<5x128x128xf32, #tpu.memory_space<vmem>> -> memref<1x128x128xf32, #tpu.memory_space<vmem>>
    %dma_start3A_112 = tpu.memref_squeeze %dma_start3A_111 : memref<1x128x128xf32, #tpu.memory_space<vmem>> -> memref<128x128xf32, #tpu.memory_space<vmem>>
    %dma_start3A_113 = arith.constant 0 : i32
    %dma_start3A_114 = tpu.memref_slice %arg4[%multiple_of3A_107, %dma_start3A_113] : memref<819200x128xf32, #tpu.memory_space<hbm>> -> memref<128x128xf32, #tpu.memory_space<hbm>>
    %dma_start3A_115 = arith.constant 0 : i32
    %dma_start3A_116 = tpu.memref_slice %arg4[%multiple_of3A_107, %dma_start3A_115] : memref<819200x128xf32, #tpu.memory_space<hbm>> -> memref<128x128xf32, #tpu.memory_space<hbm>>
    %dma_start3A_117 = arith.constant 0 : i32
    %dma_start3A_118 = arith.constant 0 : i32
    %dma_start3A_119 = tpu.memref_slice %arg6[%dma_start3A_108, %dma_start3A_117, %dma_start3A_118] : memref<5x128x128xf32, #tpu.memory_space<vmem>> -> memref<1x128x128xf32, #tpu.memory_space<vmem>>
    %dma_start3A_120 = tpu.memref_squeeze %dma_start3A_119 : memref<1x128x128xf32, #tpu.memory_space<vmem>> -> memref<128x128xf32, #tpu.memory_space<vmem>>
    tpu.enqueue_dma source(%dma_start3A_120 : memref<128x128xf32, #tpu.memory_space<vmem>>) target(%dma_start3A_116 : memref<128x128xf32, #tpu.memory_space<hbm>>) target_semaphore(%arg13 : memref<!tpu.dma_semaphore, #tpu.memory_space<semaphore_mem>>)
    %dma_wait3A_121 = arith.constant 197 : i32
    %dma_wait3A_122 = arith.constant 2 : i32
    %dma_wait3A_123 = arith.constant 0 : i32
    %dma_wait3A_124 = arith.constant 0 : i32
    %dma_wait3A_125 = tpu.memref_slice %arg6[%dma_wait3A_122, %dma_wait3A_123, %dma_wait3A_124] : memref<5x128x128xf32, #tpu.memory_space<vmem>> -> memref<1x128x128xf32, #tpu.memory_space<vmem>>
    %dma_wait3A_126 = tpu.memref_squeeze %dma_wait3A_125 : memref<1x128x128xf32, #tpu.memory_space<vmem>> -> memref<128x128xf32, #tpu.memory_space<vmem>>
    %dma_wait3A_127 = arith.constant 0 : i32
    %dma_wait3A_128 = tpu.memref_slice %arg5[%dma_wait3A_121, %dma_wait3A_127] : memref<200x128xi32, #tpu.memory_space<vmem>> -> memref<1x128xi32, #tpu.memory_space<vmem>>
    %dma_wait3A_129 = tpu.memref_squeeze %dma_wait3A_128 : memref<1x128xi32, #tpu.memory_space<vmem>> -> memref<128xi32, #tpu.memory_space<vmem>>
    %dma_wait3A_130 = arith.constant 0 : i32
    %dma_wait3A_131 = arith.constant 0 : i32
    %dma_wait3A_132 = tpu.memref_slice %arg2[%dma_wait3A_130, %dma_wait3A_131] : memref<52800x128xf32, #tpu.memory_space<hbm>> -> memref<52800x128xf32, #tpu.memory_space<hbm>>
    tpu.wait_indirect_dma semaphore(%arg9 : memref<!tpu.dma_semaphore, #tpu.memory_space<semaphore_mem>>) src(%dma_wait3A_132 : memref<52800x128xf32, #tpu.memory_space<hbm>>) dst(%dma_wait3A_126 : memref<128x128xf32, #tpu.memory_space<vmem>>)
    %add3A_133 = arith.constant 25216 : i32
    %add3A_134 = arith.addi %mul3A_2, %add3A_133 : i32
    %multiple_of3A_135 = tpu.assume_multiple %add3A_134, 128 : i32
    %dma_start3A_136 = arith.constant 2 : i32
    %dma_start3A_137 = arith.constant 0 : i32
    %dma_start3A_138 = arith.constant 0 : i32
    %dma_start3A_139 = tpu.memref_slice %arg6[%dma_start3A_136, %dma_start3A_137, %dma_start3A_138] : memref<5x128x128xf32, #tpu.memory_space<vmem>> -> memref<1x128x128xf32, #tpu.memory_space<vmem>>
    %dma_start3A_140 = tpu.memref_squeeze %dma_start3A_139 : memref<1x128x128xf32, #tpu.memory_space<vmem>> -> memref<128x128xf32, #tpu.memory_space<vmem>>
    %dma_start3A_141 = arith.constant 0 : i32
    %dma_start3A_142 = tpu.memref_slice %arg4[%multiple_of3A_135, %dma_start3A_141] : memref<819200x128xf32, #tpu.memory_space<hbm>> -> memref<128x128xf32, #tpu.memory_space<hbm>>
    %dma_start3A_143 = arith.constant 0 : i32
    %dma_start3A_144 = tpu.memref_slice %arg4[%multiple_of3A_135, %dma_start3A_143] : memref<819200x128xf32, #tpu.memory_space<hbm>> -> memref<128x128xf32, #tpu.memory_space<hbm>>
    %dma_start3A_145 = arith.constant 0 : i32
    %dma_start3A_146 = arith.constant 0 : i32
    %dma_start3A_147 = tpu.memref_slice %arg6[%dma_start3A_136, %dma_start3A_145, %dma_start3A_146] : memref<5x128x128xf32, #tpu.memory_space<vmem>> -> memref<1x128x128xf32, #tpu.memory_space<vmem>>
    %dma_start3A_148 = tpu.memref_squeeze %dma_start3A_147 : memref<1x128x128xf32, #tpu.memory_space<vmem>> -> memref<128x128xf32, #tpu.memory_space<vmem>>
    tpu.enqueue_dma source(%dma_start3A_148 : memref<128x128xf32, #tpu.memory_space<vmem>>) target(%dma_start3A_144 : memref<128x128xf32, #tpu.memory_space<hbm>>) target_semaphore(%arg14 : memref<!tpu.dma_semaphore, #tpu.memory_space<semaphore_mem>>)
    %dma_wait3A_149 = arith.constant 198 : i32
    %dma_wait3A_150 = arith.constant 3 : i32
    %dma_wait3A_151 = arith.constant 0 : i32
    %dma_wait3A_152 = arith.constant 0 : i32
    %dma_wait3A_153 = tpu.memref_slice %arg6[%dma_wait3A_150, %dma_wait3A_151, %dma_wait3A_152] : memref<5x128x128xf32, #tpu.memory_space<vmem>> -> memref<1x128x128xf32, #tpu.memory_space<vmem>>
    %dma_wait3A_154 = tpu.memref_squeeze %dma_wait3A_153 : memref<1x128x128xf32, #tpu.memory_space<vmem>> -> memref<128x128xf32, #tpu.memory_space<vmem>>
    %dma_wait3A_155 = arith.constant 0 : i32
    %dma_wait3A_156 = tpu.memref_slice %arg5[%dma_wait3A_149, %dma_wait3A_155] : memref<200x128xi32, #tpu.memory_space<vmem>> -> memref<1x128xi32, #tpu.memory_space<vmem>>
    %dma_wait3A_157 = tpu.memref_squeeze %dma_wait3A_156 : memref<1x128xi32, #tpu.memory_space<vmem>> -> memref<128xi32, #tpu.memory_space<vmem>>
    %dma_wait3A_158 = arith.constant 0 : i32
    %dma_wait3A_159 = arith.constant 0 : i32
    %dma_wait3A_160 = tpu.memref_slice %arg2[%dma_wait3A_158, %dma_wait3A_159] : memref<52800x128xf32, #tpu.memory_space<hbm>> -> memref<52800x128xf32, #tpu.memory_space<hbm>>
    tpu.wait_indirect_dma semaphore(%arg10 : memref<!tpu.dma_semaphore, #tpu.memory_space<semaphore_mem>>) src(%dma_wait3A_160 : memref<52800x128xf32, #tpu.memory_space<hbm>>) dst(%dma_wait3A_154 : memref<128x128xf32, #tpu.memory_space<vmem>>)
    %add3A_161 = arith.constant 25344 : i32
    %add3A_162 = arith.addi %mul3A_2, %add3A_161 : i32
    %multiple_of3A_163 = tpu.assume_multiple %add3A_162, 128 : i32
    %dma_start3A_164 = arith.constant 3 : i32
    %dma_start3A_165 = arith.constant 0 : i32
    %dma_start3A_166 = arith.constant 0 : i32
    %dma_start3A_167 = tpu.memref_slice %arg6[%dma_start3A_164, %dma_start3A_165, %dma_start3A_166] : memref<5x128x128xf32, #tpu.memory_space<vmem>> -> memref<1x128x128xf32, #tpu.memory_space<vmem>>
    %dma_start3A_168 = tpu.memref_squeeze %dma_start3A_167 : memref<1x128x128xf32, #tpu.memory_space<vmem>> -> memref<128x128xf32, #tpu.memory_space<vmem>>
    %dma_start3A_169 = arith.constant 0 : i32
    %dma_start3A_170 = tpu.memref_slice %arg4[%multiple_of3A_163, %dma_start3A_169] : memref<819200x128xf32, #tpu.memory_space<hbm>> -> memref<128x128xf32, #tpu.memory_space<hbm>>
    %dma_start3A_171 = arith.constant 0 : i32
    %dma_start3A_172 = tpu.memref_slice %arg4[%multiple_of3A_163, %dma_start3A_171] : memref<819200x128xf32, #tpu.memory_space<hbm>> -> memref<128x128xf32, #tpu.memory_space<hbm>>
    %dma_start3A_173 = arith.constant 0 : i32
    %dma_start3A_174 = arith.constant 0 : i32
    %dma_start3A_175 = tpu.memref_slice %arg6[%dma_start3A_164, %dma_start3A_173, %dma_start3A_174] : memref<5x128x128xf32, #tpu.memory_space<vmem>> -> memref<1x128x128xf32, #tpu.memory_space<vmem>>
    %dma_start3A_176 = tpu.memref_squeeze %dma_start3A_175 : memref<1x128x128xf32, #tpu.memory_space<vmem>> -> memref<128x128xf32, #tpu.memory_space<vmem>>
    tpu.enqueue_dma source(%dma_start3A_176 : memref<128x128xf32, #tpu.memory_space<vmem>>) target(%dma_start3A_172 : memref<128x128xf32, #tpu.memory_space<hbm>>) target_semaphore(%arg15 : memref<!tpu.dma_semaphore, #tpu.memory_space<semaphore_mem>>)
    %dma_wait3A_177 = arith.constant 199 : i32
    %dma_wait3A_178 = arith.constant 4 : i32
    %dma_wait3A_179 = arith.constant 0 : i32
    %dma_wait3A_180 = arith.constant 0 : i32
    %dma_wait3A_181 = tpu.memref_slice %arg6[%dma_wait3A_178, %dma_wait3A_179, %dma_wait3A_180] : memref<5x128x128xf32, #tpu.memory_space<vmem>> -> memref<1x128x128xf32, #tpu.memory_space<vmem>>
    %dma_wait3A_182 = tpu.memref_squeeze %dma_wait3A_181 : memref<1x128x128xf32, #tpu.memory_space<vmem>> -> memref<128x128xf32, #tpu.memory_space<vmem>>
    %dma_wait3A_183 = arith.constant 0 : i32
    %dma_wait3A_184 = tpu.memref_slice %arg5[%dma_wait3A_177, %dma_wait3A_183] : memref<200x128xi32, #tpu.memory_space<vmem>> -> memref<1x128xi32, #tpu.memory_space<vmem>>
    %dma_wait3A_185 = tpu.memref_squeeze %dma_wait3A_184 : memref<1x128xi32, #tpu.memory_space<vmem>> -> memref<128xi32, #tpu.memory_space<vmem>>
    %dma_wait3A_186 = arith.constant 0 : i32
    %dma_wait3A_187 = arith.constant 0 : i32
    %dma_wait3A_188 = tpu.memref_slice %arg2[%dma_wait3A_186, %dma_wait3A_187] : memref<52800x128xf32, #tpu.memory_space<hbm>> -> memref<52800x128xf32, #tpu.memory_space<hbm>>
    tpu.wait_indirect_dma semaphore(%arg11 : memref<!tpu.dma_semaphore, #tpu.memory_space<semaphore_mem>>) src(%dma_wait3A_188 : memref<52800x128xf32, #tpu.memory_space<hbm>>) dst(%dma_wait3A_182 : memref<128x128xf32, #tpu.memory_space<vmem>>)
    %add3A_189 = arith.constant 25472 : i32
    %add3A_190 = arith.addi %mul3A_2, %add3A_189 : i32
    %multiple_of3A_191 = tpu.assume_multiple %add3A_190, 128 : i32
    %dma_start3A_192 = arith.constant 4 : i32
    %dma_start3A_193 = arith.constant 0 : i32
    %dma_start3A_194 = arith.constant 0 : i32
    %dma_start3A_195 = tpu.memref_slice %arg6[%dma_start3A_192, %dma_start3A_193, %dma_start3A_194] : memref<5x128x128xf32, #tpu.memory_space<vmem>> -> memref<1x128x128xf32, #tpu.memory_space<vmem>>
    %dma_start3A_196 = tpu.memref_squeeze %dma_start3A_195 : memref<1x128x128xf32, #tpu.memory_space<vmem>> -> memref<128x128xf32, #tpu.memory_space<vmem>>
    %dma_start3A_197 = arith.constant 0 : i32
    %dma_start3A_198 = tpu.memref_slice %arg4[%multiple_of3A_191, %dma_start3A_197] : memref<819200x128xf32, #tpu.memory_space<hbm>> -> memref<128x128xf32, #tpu.memory_space<hbm>>
    %dma_start3A_199 = arith.constant 0 : i32
    %dma_start3A_200 = tpu.memref_slice %arg4[%multiple_of3A_191, %dma_start3A_199] : memref<819200x128xf32, #tpu.memory_space<hbm>> -> memref<128x128xf32, #tpu.memory_space<hbm>>
    %dma_start3A_201 = arith.constant 0 : i32
    %dma_start3A_202 = arith.constant 0 : i32
    %dma_start3A_203 = tpu.memref_slice %arg6[%dma_start3A_192, %dma_start3A_201, %dma_start3A_202] : memref<5x128x128xf32, #tpu.memory_space<vmem>> -> memref<1x128x128xf32, #tpu.memory_space<vmem>>
    %dma_start3A_204 = tpu.memref_squeeze %dma_start3A_203 : memref<1x128x128xf32, #tpu.memory_space<vmem>> -> memref<128x128xf32, #tpu.memory_space<vmem>>
    tpu.enqueue_dma source(%dma_start3A_204 : memref<128x128xf32, #tpu.memory_space<vmem>>) target(%dma_start3A_200 : memref<128x128xf32, #tpu.memory_space<hbm>>) target_semaphore(%arg16 : memref<!tpu.dma_semaphore, #tpu.memory_space<semaphore_mem>>)
    %multiple_of3A_205 = tpu.assume_multiple %mul3A_2, 128 : i32
    %dma_wait3A_206 = arith.constant 0 : i32
    %dma_wait3A_207 = arith.constant 0 : i32
    %dma_wait3A_208 = arith.constant 0 : i32
    %dma_wait3A_209 = tpu.memref_slice %arg6[%dma_wait3A_206, %dma_wait3A_207, %dma_wait3A_208] : memref<5x128x128xf32, #tpu.memory_space<vmem>> -> memref<1x128x128xf32, #tpu.memory_space<vmem>>
    %dma_wait3A_210 = tpu.memref_squeeze %dma_wait3A_209 : memref<1x128x128xf32, #tpu.memory_space<vmem>> -> memref<128x128xf32, #tpu.memory_space<vmem>>
    %dma_wait3A_211 = arith.constant 0 : i32
    %dma_wait3A_212 = tpu.memref_slice %arg4[%multiple_of3A_205, %dma_wait3A_211] : memref<819200x128xf32, #tpu.memory_space<hbm>> -> memref<128x128xf32, #tpu.memory_space<hbm>>
    %dma_wait3A_213 = arith.constant 0 : i32
    %dma_wait3A_214 = tpu.memref_slice %arg4[%multiple_of3A_205, %dma_wait3A_213] : memref<819200x128xf32, #tpu.memory_space<hbm>> -> memref<128x128xf32, #tpu.memory_space<hbm>>
    %dma_wait3A_215 = arith.constant 0 : i32
    %dma_wait3A_216 = arith.constant 0 : i32
    %dma_wait3A_217 = tpu.memref_slice %arg6[%dma_wait3A_206, %dma_wait3A_215, %dma_wait3A_216] : memref<5x128x128xf32, #tpu.memory_space<vmem>> -> memref<1x128x128xf32, #tpu.memory_space<vmem>>
    %dma_wait3A_218 = tpu.memref_squeeze %dma_wait3A_217 : memref<1x128x128xf32, #tpu.memory_space<vmem>> -> memref<128x128xf32, #tpu.memory_space<vmem>>
    tpu.wait_dma2 semaphore(%arg12 : memref<!tpu.dma_semaphore, #tpu.memory_space<semaphore_mem>>) src(%dma_wait3A_218 : memref<128x128xf32, #tpu.memory_space<vmem>>) dst(%dma_wait3A_214 : memref<128x128xf32, #tpu.memory_space<hbm>>)
    %multiple_of3A_219 = tpu.assume_multiple %mul3A_2, 128 : i32
    %dma_wait3A_220 = arith.constant 1 : i32
    %dma_wait3A_221 = arith.constant 0 : i32
    %dma_wait3A_222 = arith.constant 0 : i32
    %dma_wait3A_223 = tpu.memref_slice %arg6[%dma_wait3A_220, %dma_wait3A_221, %dma_wait3A_222] : memref<5x128x128xf32, #tpu.memory_space<vmem>> -> memref<1x128x128xf32, #tpu.memory_space<vmem>>
    %dma_wait3A_224 = tpu.memref_squeeze %dma_wait3A_223 : memref<1x128x128xf32, #tpu.memory_space<vmem>> -> memref<128x128xf32, #tpu.memory_space<vmem>>
    %dma_wait3A_225 = arith.constant 0 : i32
    %dma_wait3A_226 = tpu.memref_slice %arg4[%multiple_of3A_219, %dma_wait3A_225] : memref<819200x128xf32, #tpu.memory_space<hbm>> -> memref<128x128xf32, #tpu.memory_space<hbm>>
    %dma_wait3A_227 = arith.constant 0 : i32
    %dma_wait3A_228 = tpu.memref_slice %arg4[%multiple_of3A_219, %dma_wait3A_227] : memref<819200x128xf32, #tpu.memory_space<hbm>> -> memref<128x128xf32, #tpu.memory_space<hbm>>
    %dma_wait3A_229 = arith.constant 0 : i32
    %dma_wait3A_230 = arith.constant 0 : i32
    %dma_wait3A_231 = tpu.memref_slice %arg6[%dma_wait3A_220, %dma_wait3A_229, %dma_wait3A_230] : memref<5x128x128xf32, #tpu.memory_space<vmem>> -> memref<1x128x128xf32, #tpu.memory_space<vmem>>
    %dma_wait3A_232 = tpu.memref_squeeze %dma_wait3A_231 : memref<1x128x128xf32, #tpu.memory_space<vmem>> -> memref<128x128xf32, #tpu.memory_space<vmem>>
    tpu.wait_dma2 semaphore(%arg13 : memref<!tpu.dma_semaphore, #tpu.memory_space<semaphore_mem>>) src(%dma_wait3A_232 : memref<128x128xf32, #tpu.memory_space<vmem>>) dst(%dma_wait3A_228 : memref<128x128xf32, #tpu.memory_space<hbm>>)
    %multiple_of3A_233 = tpu.assume_multiple %mul3A_2, 128 : i32
    %dma_wait3A_234 = arith.constant 2 : i32
    %dma_wait3A_235 = arith.constant 0 : i32
    %dma_wait3A_236 = arith.constant 0 : i32
    %dma_wait3A_237 = tpu.memref_slice %arg6[%dma_wait3A_234, %dma_wait3A_235, %dma_wait3A_236] : memref<5x128x128xf32, #tpu.memory_space<vmem>> -> memref<1x128x128xf32, #tpu.memory_space<vmem>>
    %dma_wait3A_238 = tpu.memref_squeeze %dma_wait3A_237 : memref<1x128x128xf32, #tpu.memory_space<vmem>> -> memref<128x128xf32, #tpu.memory_space<vmem>>
    %dma_wait3A_239 = arith.constant 0 : i32
    %dma_wait3A_240 = tpu.memref_slice %arg4[%multiple_of3A_233, %dma_wait3A_239] : memref<819200x128xf32, #tpu.memory_space<hbm>> -> memref<128x128xf32, #tpu.memory_space<hbm>>
    %dma_wait3A_241 = arith.constant 0 : i32
    %dma_wait3A_242 = tpu.memref_slice %arg4[%multiple_of3A_233, %dma_wait3A_241] : memref<819200x128xf32, #tpu.memory_space<hbm>> -> memref<128x128xf32, #tpu.memory_space<hbm>>
    %dma_wait3A_243 = arith.constant 0 : i32
    %dma_wait3A_244 = arith.constant 0 : i32
    %dma_wait3A_245 = tpu.memref_slice %arg6[%dma_wait3A_234, %dma_wait3A_243, %dma_wait3A_244] : memref<5x128x128xf32, #tpu.memory_space<vmem>> -> memref<1x128x128xf32, #tpu.memory_space<vmem>>
    %dma_wait3A_246 = tpu.memref_squeeze %dma_wait3A_245 : memref<1x128x128xf32, #tpu.memory_space<vmem>> -> memref<128x128xf32, #tpu.memory_space<vmem>>
    tpu.wait_dma2 semaphore(%arg14 : memref<!tpu.dma_semaphore, #tpu.memory_space<semaphore_mem>>) src(%dma_wait3A_246 : memref<128x128xf32, #tpu.memory_space<vmem>>) dst(%dma_wait3A_242 : memref<128x128xf32, #tpu.memory_space<hbm>>)
    %multiple_of3A_247 = tpu.assume_multiple %mul3A_2, 128 : i32
    %dma_wait3A_248 = arith.constant 3 : i32
    %dma_wait3A_249 = arith.constant 0 : i32
    %dma_wait3A_250 = arith.constant 0 : i32
    %dma_wait3A_251 = tpu.memref_slice %arg6[%dma_wait3A_248, %dma_wait3A_249, %dma_wait3A_250] : memref<5x128x128xf32, #tpu.memory_space<vmem>> -> memref<1x128x128xf32, #tpu.memory_space<vmem>>
    %dma_wait3A_252 = tpu.memref_squeeze %dma_wait3A_251 : memref<1x128x128xf32, #tpu.memory_space<vmem>> -> memref<128x128xf32, #tpu.memory_space<vmem>>
    %dma_wait3A_253 = arith.constant 0 : i32
    %dma_wait3A_254 = tpu.memref_slice %arg4[%multiple_of3A_247, %dma_wait3A_253] : memref<819200x128xf32, #tpu.memory_space<hbm>> -> memref<128x128xf32, #tpu.memory_space<hbm>>
    %dma_wait3A_255 = arith.constant 0 : i32
    %dma_wait3A_256 = tpu.memref_slice %arg4[%multiple_of3A_247, %dma_wait3A_255] : memref<819200x128xf32, #tpu.memory_space<hbm>> -> memref<128x128xf32, #tpu.memory_space<hbm>>
    %dma_wait3A_257 = arith.constant 0 : i32
    %dma_wait3A_258 = arith.constant 0 : i32
    %dma_wait3A_259 = tpu.memref_slice %arg6[%dma_wait3A_248, %dma_wait3A_257, %dma_wait3A_258] : memref<5x128x128xf32, #tpu.memory_space<vmem>> -> memref<1x128x128xf32, #tpu.memory_space<vmem>>
    %dma_wait3A_260 = tpu.memref_squeeze %dma_wait3A_259 : memref<1x128x128xf32, #tpu.memory_space<vmem>> -> memref<128x128xf32, #tpu.memory_space<vmem>>
    tpu.wait_dma2 semaphore(%arg15 : memref<!tpu.dma_semaphore, #tpu.memory_space<semaphore_mem>>) src(%dma_wait3A_260 : memref<128x128xf32, #tpu.memory_space<vmem>>) dst(%dma_wait3A_256 : memref<128x128xf32, #tpu.memory_space<hbm>>)
    %multiple_of3A_261 = tpu.assume_multiple %mul3A_2, 128 : i32
    %dma_wait3A_262 = arith.constant 4 : i32
    %dma_wait3A_263 = arith.constant 0 : i32
    %dma_wait3A_264 = arith.constant 0 : i32
    %dma_wait3A_265 = tpu.memref_slice %arg6[%dma_wait3A_262, %dma_wait3A_263, %dma_wait3A_264] : memref<5x128x128xf32, #tpu.memory_space<vmem>> -> memref<1x128x128xf32, #tpu.memory_space<vmem>>
    %dma_wait3A_266 = tpu.memref_squeeze %dma_wait3A_265 : memref<1x128x128xf32, #tpu.memory_space<vmem>> -> memref<128x128xf32, #tpu.memory_space<vmem>>
    %dma_wait3A_267 = arith.constant 0 : i32
    %dma_wait3A_268 = tpu.memref_slice %arg4[%multiple_of3A_261, %dma_wait3A_267] : memref<819200x128xf32, #tpu.memory_space<hbm>> -> memref<128x128xf32, #tpu.memory_space<hbm>>
    %dma_wait3A_269 = arith.constant 0 : i32
    %dma_wait3A_270 = tpu.memref_slice %arg4[%multiple_of3A_261, %dma_wait3A_269] : memref<819200x128xf32, #tpu.memory_space<hbm>> -> memref<128x128xf32, #tpu.memory_space<hbm>>
    %dma_wait3A_271 = arith.constant 0 : i32
    %dma_wait3A_272 = arith.constant 0 : i32
    %dma_wait3A_273 = tpu.memref_slice %arg6[%dma_wait3A_262, %dma_wait3A_271, %dma_wait3A_272] : memref<5x128x128xf32, #tpu.memory_space<vmem>> -> memref<1x128x128xf32, #tpu.memory_space<vmem>>
    %dma_wait3A_274 = tpu.memref_squeeze %dma_wait3A_273 : memref<1x128x128xf32, #tpu.memory_space<vmem>> -> memref<128x128xf32, #tpu.memory_space<vmem>>
    tpu.wait_dma2 semaphore(%arg16 : memref<!tpu.dma_semaphore, #tpu.memory_space<semaphore_mem>>) src(%dma_wait3A_274 : memref<128x128xf32, #tpu.memory_space<vmem>>) dst(%dma_wait3A_270 : memref<128x128xf32, #tpu.memory_space<hbm>>)
    return
  }
}

module attributes {stable_mosaic.version = 14 : i64} {
  func.func @_prep_body(%arg0: i32, %arg1: memref<264x128xf32, #tpu.memory_space<vmem>>, %arg2: memref<40x128xf32, #tpu.memory_space<vmem>>, %arg3: memref<1x128xf32, #tpu.memory_space<vmem>>, %arg4: memref<1x128xf32, #tpu.memory_space<vmem>>, %arg5: memref<1280x128xi32, #tpu.memory_space<vmem>>, %arg6: memref<40x264x128xf32, #tpu.memory_space<vmem>>, %arg7: memref<1280x128xi32, #tpu.memory_space<vmem>>) attributes {dimension_semantics = [#tpu.dimension_semantics<arbitrary>], iteration_bounds = array<i64: 5>, scalar_prefetch = 0 : i64, scratch_operands = 0 : i64, tpu.core_type = #tpu.core_type<tc>, window_params = [{pipeline_mode = #tpu.pipeline_mode<synchronous>, transform_indices = @transform_0, window_bounds = array<i64: 264, 128>}, {transform_indices = @transform_1, window_bounds = array<i64: 40, 128>}, {pipeline_mode = #tpu.pipeline_mode<synchronous>, transform_indices = @transform_2, window_bounds = array<i64: 1, 128>}, {pipeline_mode = #tpu.pipeline_mode<synchronous>, transform_indices = @transform_3, window_bounds = array<i64: 1, 128>}, {transform_indices = @transform_4, window_bounds = array<i64: 1280, 128>}, {transform_indices = @transform_5, window_bounds = array<i64: 40, 264, 128>}, {transform_indices = @transform_6, window_bounds = array<i64: 1280, 128>}]} {
    %get3A = arith.constant 0 : index
    %get3A_0 = arith.constant 0 : index
    %get3A_1 = vector.load %arg1[%get3A, %get3A_0] : memref<264x128xf32, #tpu.memory_space<vmem>>, vector<264x128xf32>
    %broadcast_in_dim3A = vector.shape_cast %get3A_1 : vector<264x128xf32> to vector<1x264x128xf32>
    %get3A_2 = arith.constant 0 : index
    %get3A_3 = arith.constant 0 : index
    %get3A_4 = vector.load %arg2[%get3A_2, %get3A_3] : memref<40x128xf32, #tpu.memory_space<vmem>>, vector<40x128xf32>
    %broadcast_in_dim3A_5 = vector.shape_cast %get3A_4 : vector<40x128xf32> to vector<40x1x128xf32>
    %add3A = vector.broadcast %broadcast_in_dim3A : vector<1x264x128xf32> to vector<40x264x128xf32>
    %add3A_6 = vector.broadcast %broadcast_in_dim3A_5 : vector<40x1x128xf32> to vector<40x264x128xf32>
    %add3A_7 = arith.addf %add3A, %add3A_6 : vector<40x264x128xf32>
    %reduce_sum3A = arith.constant dense<0.000000e+00> : vector<40x264xf32>
    %reduce_sum3A_8 = vector.multi_reduction <add>, %add3A_7, %reduce_sum3A [2] : vector<40x264x128xf32> to vector<40x264xf32>
    %broadcast_in_dim3A_9 = vector.shape_cast %reduce_sum3A_8 : vector<40x264xf32> to vector<40x264x1xf32>
    %div3A = arith.constant 1.280000e+02 : f32
    %div3A_10 = vector.broadcast %div3A : f32 to vector<40x264x1xf32>
    %div3A_11 = arith.divf %broadcast_in_dim3A_9, %div3A_10 : vector<40x264x1xf32>
    %sub3A = vector.broadcast %div3A_11 : vector<40x264x1xf32> to vector<40x264x128xf32>
    %sub3A_12 = arith.subf %add3A_7, %sub3A : vector<40x264x128xf32>
    %mul3A = arith.mulf %sub3A_12, %sub3A_12 : vector<40x264x128xf32>
    %reduce_sum3A_13 = arith.constant dense<0.000000e+00> : vector<40x264xf32>
    %reduce_sum3A_14 = vector.multi_reduction <add>, %mul3A, %reduce_sum3A_13 [2] : vector<40x264x128xf32> to vector<40x264xf32>
    %broadcast_in_dim3A_15 = vector.shape_cast %reduce_sum3A_14 : vector<40x264xf32> to vector<40x264x1xf32>
    %div3A_16 = arith.constant 1.280000e+02 : f32
    %div3A_17 = vector.broadcast %div3A_16 : f32 to vector<40x264x1xf32>
    %div3A_18 = arith.divf %broadcast_in_dim3A_15, %div3A_17 : vector<40x264x1xf32>
    %add3A_19 = arith.constant 9.99999974E-6 : f32
    %add3A_20 = vector.broadcast %add3A_19 : f32 to vector<40x264x1xf32>
    %add3A_21 = arith.addf %div3A_18, %add3A_20 : vector<40x264x1xf32>
    %rsqrt3A = math.rsqrt %add3A_21 : vector<40x264x1xf32>
    %mul3A_22 = vector.broadcast %rsqrt3A : vector<40x264x1xf32> to vector<40x264x128xf32>
    %mul3A_23 = arith.mulf %sub3A_12, %mul3A_22 : vector<40x264x128xf32>
    %get3A_24 = arith.constant 0 : index
    %get3A_25 = arith.constant 0 : index
    %get3A_26 = vector.load %arg3[%get3A_24, %get3A_25] : memref<1x128xf32, #tpu.memory_space<vmem>>, vector<1x128xf32>
    %broadcast_in_dim3A_27 = vector.shape_cast %get3A_26 : vector<1x128xf32> to vector<1x1x128xf32>
    %mul3A_28 = vector.broadcast %broadcast_in_dim3A_27 : vector<1x1x128xf32> to vector<40x264x128xf32>
    %mul3A_29 = arith.mulf %mul3A_23, %mul3A_28 : vector<40x264x128xf32>
    %get3A_30 = arith.constant 0 : index
    %get3A_31 = arith.constant 0 : index
    %get3A_32 = vector.load %arg4[%get3A_30, %get3A_31] : memref<1x128xf32, #tpu.memory_space<vmem>>, vector<1x128xf32>
    %broadcast_in_dim3A_33 = vector.shape_cast %get3A_32 : vector<1x128xf32> to vector<1x1x128xf32>
    %add3A_34 = vector.broadcast %broadcast_in_dim3A_33 : vector<1x1x128xf32> to vector<40x264x128xf32>
    %add3A_35 = arith.addf %mul3A_29, %add3A_34 : vector<40x264x128xf32>
    %swap3A = arith.constant 0 : index
    %swap3A_36 = arith.constant 0 : index
    %swap3A_37 = arith.constant 0 : index
    %swap3A_38 = vector.load %arg6[%swap3A, %swap3A_36, %swap3A_37] : memref<40x264x128xf32, #tpu.memory_space<vmem>>, vector<40x264x128xf32>
    tpu.vector_store %arg6[%swap3A, %swap3A_36, %swap3A_37], %add3A_35 {strides = array<i32>} : memref<40x264x128xf32, #tpu.memory_space<vmem>>, vector<40x264x128xf32>,
    %iota3A = tpu.iota {dimensions = array<i32: 0>} : vector<1280x128xi32>
    %iota3A_39 = tpu.iota {dimensions = array<i32: 1>} : vector<1280x128xi32>
    %mul3A_40 = arith.constant 1280 : i32
    %mul3A_41 = arith.muli %arg0, %mul3A_40 : i32
    %add3A_42 = vector.broadcast %mul3A_41 : i32 to vector<1280x128xi32>
    %add3A_43 = arith.addi %add3A_42, %iota3A : vector<1280x128xi32>
    %mul3A_44 = arith.constant 128 : i32
    %mul3A_45 = vector.broadcast %mul3A_44 : i32 to vector<1280x128xi32>
    %mul3A_46 = arith.muli %add3A_43, %mul3A_45 : vector<1280x128xi32>
    %add3A_47 = arith.addi %mul3A_46, %iota3A_39 : vector<1280x128xi32>
    %get3A_48 = arith.constant 0 : index
    %get3A_49 = arith.constant 0 : index
    %get3A_50 = vector.load %arg5[%get3A_48, %get3A_49] : memref<1280x128xi32, #tpu.memory_space<vmem>>, vector<1280x128xi32>
    %jit3A = arith.constant 200 : i32
    %eq3A = arith.constant 0 : i32
    %eq3A_51 = arith.cmpi eq, %jit3A, %eq3A : i32
    %jit3A_52 = arith.constant 1 : i32
    %select_n3A = arith.select %eq3A_51, %jit3A_52, %jit3A : i32
    %rem3A = vector.broadcast %select_n3A : i32 to vector<1280x128xi32>
    %rem3A_53 = arith.remsi %add3A_47, %rem3A : vector<1280x128xi32>
    %ne3A = arith.constant 0 : i32
    %ne3A_54 = vector.broadcast %ne3A : i32 to vector<1280x128xi32>
    %ne3A_55 = arith.cmpi ne, %rem3A_53, %ne3A_54 : vector<1280x128xi32>
    %lt3A = arith.constant 0 : i32
    %lt3A_56 = vector.broadcast %lt3A : i32 to vector<1280x128xi32>
    %lt3A_57 = arith.cmpi slt, %rem3A_53, %lt3A_56 : vector<1280x128xi32>
    %lt3A_58 = arith.constant 0 : i32
    %lt3A_59 = arith.cmpi slt, %select_n3A, %lt3A_58 : i32
    %ne3A_60 = vector.broadcast %lt3A_59 : i1 to vector<1280x128xi1>
    %ne3A_61 = vector.broadcast %ne3A_60 : vector<1280x128xi1> to vector<1280x128xi1>
    %ne3A_62 = arith.xori %lt3A_57, %ne3A_61 : vector<1280x128xi1>
    %and3A = arith.andi %ne3A_62, %ne3A_55 : vector<1280x128xi1>
    %add3A_63 = vector.broadcast %select_n3A : i32 to vector<1280x128xi32>
    %add3A_64 = arith.addi %rem3A_53, %add3A_63 : vector<1280x128xi32>
    %select_n3A_65 = arith.select %and3A, %add3A_64, %rem3A_53 : vector<1280x128xi1>, vector<1280x128xi32>
    %mul3A_66 = arith.constant 264 : i32
    %mul3A_67 = vector.broadcast %mul3A_66 : i32 to vector<1280x128xi32>
    %mul3A_68 = arith.muli %select_n3A_65, %mul3A_67 : vector<1280x128xi32>
    %add3A_69 = arith.addi %get3A_50, %mul3A_68 : vector<1280x128xi32>
    %swap3A_70 = arith.constant 0 : index
    %swap3A_71 = arith.constant 0 : index
    %swap3A_72 = vector.load %arg7[%swap3A_70, %swap3A_71] : memref<1280x128xi32, #tpu.memory_space<vmem>>, vector<1280x128xi32>
    tpu.vector_store %arg7[%swap3A_70, %swap3A_71], %add3A_69 {strides = array<i32>} : memref<1280x128xi32, #tpu.memory_space<vmem>>, vector<1280x128xi32>,
    return
  }
  func.func @transform_0(%arg0: i32) -> (i32, i32) {
    %c0_i32 = arith.constant 0 : i32
    %c0_i32_0 = arith.constant 0 : i32
    %c0_i32_1 = arith.constant 0 : i32
    return %c0_i32, %c0_i32_0 : i32, i32
  }
  func.func @transform_1(%arg0: i32) -> (i32, i32) {
    %c0_i32 = arith.constant 0 : i32
    %c0_i32_0 = arith.constant 0 : i32
    return %arg0, %c0_i32 : i32, i32
  }
  func.func @transform_2(%arg0: i32) -> (i32, i32) {
    %c0_i32 = arith.constant 0 : i32
    %c0_i32_0 = arith.constant 0 : i32
    %c0_i32_1 = arith.constant 0 : i32
    return %c0_i32, %c0_i32_0 : i32, i32
  }
  func.func @transform_3(%arg0: i32) -> (i32, i32) {
    %c0_i32 = arith.constant 0 : i32
    %c0_i32_0 = arith.constant 0 : i32
    %c0_i32_1 = arith.constant 0 : i32
    return %c0_i32, %c0_i32_0 : i32, i32
  }
  func.func @transform_4(%arg0: i32) -> (i32, i32) {
    %c0_i32 = arith.constant 0 : i32
    %c0_i32_0 = arith.constant 0 : i32
    return %arg0, %c0_i32 : i32, i32
  }
  func.func @transform_5(%arg0: i32) -> (i32, i32, i32) {
    %c0_i32 = arith.constant 0 : i32
    %c0_i32_0 = arith.constant 0 : i32
    %c0_i32_1 = arith.constant 0 : i32
    return %arg0, %c0_i32, %c0_i32_0 : i32, i32, i32
  }
  func.func @transform_6(%arg0: i32) -> (i32, i32) {
    %c0_i32 = arith.constant 0 : i32
    %c0_i32_0 = arith.constant 0 : i32
    return %arg0, %c0_i32 : i32, i32
  }
}

</mosaic_0001>

<sc_bundles>
// kernel: kernel.4.cloned.1.call-start
scs
__scs_entry_jumppad:
0x0: {  	(pc) =	sbr.rel $0x88, $3  }
0x1: {  	(tag) =	ssettag $0x0;
	lr =	simm.s32 $0x1  }
0x2: {  	[smem:$0x3F9D] =	sst lr;
	_ =	strace $0xD0000000  }
0x3: {  	_ = 	snop  }
0x4: {  	_ = 	snop  }
0x5: {  	_ = 	snop  }
0x6: {  	_ = 	snop  }
0x7: {  	_ = 	snop  }
__scs_overlays_trampoline_lowered:
0x8: {  	[smem:$0x3FAC] =	sst s0  }
0x9: {  	[smem:$0x3FAD] =	sst s1  }
0xa: {  	[smem:$0x3FAE] =	sst s2  }
0xb: {  	[smem:$0x3FAF] =	sst s3  }
0xc: {  	[smem:$0x3FB0] =	sst s4  }
0xd: {  	[smem:$0x3FB1] =	sst s5  }
0xe: {  	[smem:$0x3FB2] =	sst s6  }
0xf: {  	[smem:$0x3FB3] =	sst s7  }
0x10: {  	[smem:$0x3FB4] =	sst s8  }
0x11: {  	[smem:$0x3FB5] =	sst s9;
	s0 =	simm.s32 @!p0 $0x0  }
0x12: {  	s1 =	sld [smem:$0x3F9B];
	s0 =	simm.s32 @p0 $0x1  }
0x13: {  	[smem:$0x3FB6] =	sst s0;
	s0 =	simm.s32 @!p1 $0x0  }
0x14: {  	s2 =	sld [smem:$0x3F9A];
	s0 =	simm.s32 @p1 $0x1  }
0x15: {  	[smem:$0x3FB7] =	sst s0;
	s0 =	simm.s32 @!p2 $0x0  }
0x16: {  	s3 =	sld [smem:$0x3FDB];
	s0 =	simm.s32 @p2 $0x1  }
0x17: {  	s4 =	simm.s32 $0x1BF5;
	[smem:$0x3FB9] =	sst s0  }
0x18: {  	s0 =	sld [smem:$0x3F9C];
	_ =	swait.ge [sflag:s4], $0x0  }
0x19: {  	s7 =	sld [smem:$0x3F9D]  }
0x1a: {  	s8 =	sadd.s32 $0xFFFFE003, lr  }
0x1b: {  	s9 =	sadd.s32 $0xFFFFFEF7, lr;
	s5 =	simm.s32 $0xFFFFFFFF;
	p2 =	slt.u32 s8, $0xFFFFF086  }
0x1c: {  	p1 =	slt.u32 s9, $0xF7A;
	s5 =	simm.s32 @!p2 $0x0  }
0x1d: {  	s5 =	simm.s32 @p1 $0x1;
	p0 =	seq.s32 s7, s2  }
0x1e: {  	s7 =	smul.u32 @!p0 $0xF7A, s2;
	p2 =	seq.s32 @!p0 s5, $0x0  }
0x1f: {  	s9 =	smul.u32 $0xF7A, s1;
	s8 =	simm.s32 @!p0 $0x1BF5;
	p2 =	por !p2, p0  }
0x20: {  	[sflag:s8] =	ssyncset.s32 @!p0 $0xFFFFF086;
	s6 =	sadd.s32 @!p0 s3, s7;
	s7 =	simm.s32 @!p0 $0x108  }
0x21: {  	s3 =	sadd.s32 s3, s9;
	s6 =	sadd.s32 @!p0 $0x88, s6;
	s7 =	simm.s32 @p2 $0x1082  }
0x22: {  	[simem:s7], [sflag:s8] =	dma.local @!p0 [hbm:s6], $0xF7A  }
0x23: {  	s9 =	sor.u32 $0xD0000000, s2;
	s6 =	simm.s32 $0x108;
	_ =	swait.ge @!p0 [sflag:s8], $0x0  }
0x24: {  	s3 =	sadd.s32 $0x88, s3;
	s6 =	simm.s32 @!p1 $0x1082;
	[sflag:s4] =	ssyncset.s32 $0xFFFFF086  }
0x25: {  	[simem:s6], [sflag:s4] =	dma.local [hbm:s3], $0xF7A  }
0x26: {  	[smem:$0x3F9D] =	sst s1;
	(tag) =	ssettag s2;
	_ =	strace s9  }
0x27: {  	s1 =	sld [smem:$0x3FAD]  }
0x28: {  	s2 =	sld [smem:$0x3FAE]  }
0x29: {  	s4 =	sld [smem:$0x3FB0]  }
0x2a: {  	p0 =	seq.s32 s5, $0x0;
	s5 =	sld [smem:$0x3FB1]  }
0x2b: {  	s6 =	sld [smem:$0x3FB2]  }
0x2c: {  	s7 =	sld [smem:$0x3FB3]  }
0x2d: {  	s3 =	simm.s32 $0x108;
	s8 =	sld [smem:$0x3FB4]  }
0x2e: {  	s3 =	simm.s32 @!p0 $0x1082;
	s9 =	sld [smem:$0x3FB5]  }
0x2f: {  	lr =	sadd.s32 s0, s3;
	s0 =	sld [smem:$0x3FAC]  }
0x30: {  	s3 =	sld [smem:$0x3FAF]  }
0x31: {  	[smem:$0x3FB8] =	sst s10  }
0x32: {  	s10 =	sld [smem:$0x3FB6];
	_ =	sdelay $0x3  }
0x33: {  	p0 =	seq.s32 s10, $0x1;
	s10 =	sld [smem:$0x3FB8];
	_ =	sdelay $0x3  }
0x34: {  	[smem:$0x3FB8] =	sst s10  }
0x35: {  	s10 =	sld [smem:$0x3FB7];
	_ =	sdelay $0x3  }
0x36: {  	p1 =	seq.s32 s10, $0x1;
	s10 =	sld [smem:$0x3FB8];
	_ =	sdelay $0x3  }
0x37: {  	[smem:$0x3FB8] =	sst s10  }
0x38: {  	s10 =	sld [smem:$0x3FB9]  }
0x39: {  	_ = 	snop;
	(pc) =	sbr.ind lr, $3  }
0x3a: {  	_ = 	snop  }
0x3b: {  	_ = 	snop  }
0x3c: {  	p2 =	seq.s32 s10, $0x1;
	s10 =	sld [smem:$0x3FB8]  }
0x3d: {  	_ =	shalt  }
0x3e: {  	_ =	shalt  }
0x3f: {  	_ =	shalt  }
0x40: {  	_ =	shalt  }
0x41: {  	_ =	shalt  }
0x42: {  	_ =	shalt  }
0x43: {  	_ =	shalt  }
0x44: {  	_ =	shalt  }
0x45: {  	_ =	shalt  }
0x46: {  	_ =	shalt  }
0x47: {  	_ =	shalt  }
0x48: {  	_ =	shalt  }
0x49: {  	_ =	shalt  }
0x4a: {  	_ =	shalt  }
0x4b: {  	_ =	shalt  }
0x4c: {  	_ =	shalt  }
0x4d: {  	_ =	shalt  }
0x4e: {  	_ =	shalt  }
0x4f: {  	_ =	shalt  }
0x50: {  	_ =	shalt  }
0x51: {  	_ =	shalt  }
0x52: {  	_ =	shalt  }
0x53: {  	_ =	shalt  }
0x54: {  	_ =	shalt  }
0x55: {  	_ =	shalt  }
0x56: {  	_ =	shalt  }
0x57: {  	_ =	shalt  }
0x58: {  	_ =	shalt  }
0x59: {  	_ =	shalt  }
0x5a: {  	_ =	shalt  }
0x5b: {  	_ =	shalt  }
0x5c: {  	_ =	shalt  }
0x5d: {  	_ =	shalt  }
0x5e: {  	_ =	shalt  }
0x5f: {  	_ =	shalt  }
0x60: {  	_ =	shalt  }
0x61: {  	_ =	shalt  }
0x62: {  	_ =	shalt  }
0x63: {  	_ =	shalt  }
0x64: {  	_ =	shalt  }
0x65: {  	_ =	shalt  }
0x66: {  	_ =	shalt  }
0x67: {  	_ =	shalt  }
0x68: {  	_ =	shalt  }
0x69: {  	_ =	shalt  }
0x6a: {  	_ =	shalt  }
0x6b: {  	_ =	shalt  }
0x6c: {  	_ =	shalt  }
0x6d: {  	_ =	shalt  }
0x6e: {  	_ =	shalt  }
0x6f: {  	_ =	shalt  }
0x70: {  	_ =	shalt  }
0x71: {  	_ =	shalt  }
0x72: {  	_ =	shalt  }
0x73: {  	_ =	shalt  }
0x74: {  	_ =	shalt  }
0x75: {  	_ =	shalt  }
0x76: {  	_ =	shalt  }
0x77: {  	_ =	shalt  }
0x78: {  	_ =	shalt  }
0x79: {  	_ =	shalt  }
0x7a: {  	_ =	shalt  }
0x7b: {  	_ =	shalt  }
0x7c: {  	_ =	shalt  }
0x7d: {  	_ =	shalt  }
0x7e: {  	_ =	shalt  }
0x7f: {  	_ =	shalt  }
0x80: {  	_ =	shalt  }
0x81: {  	_ =	shalt  }
0x82: {  	_ =	shalt  }
0x83: {  	_ =	shalt  }
0x84: {  	_ =	shalt  }
0x85: {  	_ =	shalt  }
0x86: {  	_ =	shalt  }
0x87: {  	_ =	shalt  }
.Lfunc_end0:
.L_simem_size_0:
called_computation_lowered:
.L_overlay_start_0:
0x88: {  	s2 =	sld [smem:$0x3FD9]  }
0x89: {  	s3 =	sld [smem:$0x3FFE];
	_ =	sdelay $0x1  }
0x8a: {  	s1 =	srdreg.scid  }
0x8b: {  	s0 =	sand.u32 $0x1, s1  }
0x8c: {  	s17 =	sshll.u32 s0, $0xA;
	s2 =	sadd.s32 s3, s2  }
0x8d: {  	s2 =	sadd.s32 s2, s17  }
0x8e: {  	[smem:$0x3FC4] =	sst s2  }
0x8f: {  	_ = 	snop  }
0x90: {  	s2 =	sld [smem:$0x3FD0];
	(tm) =	ssettm $0x1  }
0x91: {  	s18 =	sld [smem:$0x3FFB];
	_ =	sdelay $0x3  }
0x92: {  	_ =	strace s18  }
0x93: {  	s3 =	sld [smem:$0x3FFC];
	_ =	sdelay $0x3  }
0x94: {  	_ =	strace s3  }
0x95: {  	s3 =	sld [smem:$0x3FFD];
	_ =	sdelay $0x3  }
0x96: {  	_ =	strace s3  }
0x97: {  	_ =	strace $0x8FFFFFFF  }
0x98: {  	s19 =	sld [smem:$0x3FDB];
	_ =	sdelay $0x1  }
0x99: {  	s4 =	simm.s32 $_scs_section_size  }
0x9a: {  	s5 =	simm.s32 $_size__tile_overlayer_lowered;
	s6 =	simm.s32 $_tile_overlayer_lowered  }
0x9b: {  	s22 =	simm.s32 $0x1BFF;
	s21 =	sshll.u32 s6, $0x1;
	s3 =	sadd.s32 s4, s19  }
0x9c: {  	s7 =	simm.s32 $0x0;
	s20 =	sshll.u32 s5, $0x1;
	s5 =	sadd.s32 s21, s3  }
0x9d: {  	[timem:s7], [sflag:s22] =	dma.local [hbm:s5], s20  }
0x9e: {  	_ =	swait.ge [sflag:s22], s20  }
0x9f: {  	s4 =	ssub.s32 $0x0, s20;
	[sflag:s22] =	ssyncset.done $0x0  }
0xa0: {  	[sflag:s22] =	ssyncadd.s32 s4;
	_ =	sdelay $0x1  }
0xa1: {  	s23 =	simm.s32 $0x1B8B  }
0xa2: {  	_ =	swait.ge [sflag:s23], $0x1  }
0xa3: {  	[sflag:s23] =	ssyncset.done $0x0  }
0xa4: {  	s25 =	simm.s32 $0x1B8E;
	s24 =	sld [smem:$0x3FFE];
	[sflag:s23] =	ssyncadd.s32 $0xFFFFFFFF  }
0xa5: {  	s26 =	simm.s32 $execute0_lowered;
	[smem:$0x3FD2] =	sst s25  }
0xa6: {  	s5 =	sshll.u32 s26, $0x1;
	_ =	strace $0x80000046;
	[dreg:$0x1] =	wrdreg $0xFFFFFFFF  }
0xa7: {  	s28 =	simm.s32 $_size_execute0_lowered;
	s3 =	sadd.s32 s3, s5;
	[dreg:$0x0] =	wrdreg $0x0  }
0xa8: {  	s5 =	sshll.u32 s28, $0x1;
	[dreg:$0x2] =	wrdreg s3  }
0xa9: {  	[dreg:$0x3] =	wrdreg s5  }
0xaa: {  	[dreg:$0x4] =	wrdreg $0xC0  }
0xab: {  	_ =	task [dreg:s7], $0x5FFFF  }
0xac: {  	[dreg:$0x1] =	wrdreg $0xFFFFFFFF  }
0xad: {  	[dreg:$0x0] =	wrdreg $0x60  }
0xae: {  	[dreg:$0x2] =	wrdreg s24  }
0xaf: {  	[dreg:$0x3] =	wrdreg s2  }
0xb0: {  	[dreg:$0x4] =	wrdreg $0x9  }
0xb1: {  	_ =	task.clear_ibuf [dreg:s7], $0x5FFFF;
	_ =	strace $0x90000046  }
0xb2: {  	s29 =	simm.s32 $0x9;
	_ =	strace $0x80000048  }
0xb3: {  	_ =	swait.ge [sflag:s29], $0x1  }
0xb4: {  	[sflag:s29] =	ssyncadd.s32 $0xFFFFFFFF  }
0xb5: {  	_ =	strace $0x90000048  }
0xb6: {  	_ =	sfence  }
0xb7: {  	s30 =	sld [smem:$0x0];
	_ =	sdelay $0x2  }
0xb8: {  	s31 =	sshll.u32 s1, $0xD;
	s1 =	sshrl.u32 s1, $0x2  }
0xb9: {  	s3 =	sand.u32 $0x4000, s31;
	s1 =	sadd.s32 s1, s30  }
0xba: {  	s0 =	sor.u32 s3, s0;
	s1 =	sshll.u32 s1, $0x11  }
0xbb: {  	s0 =	sor.u32 s1, s0  }
0xbc: {  	s0 =	sadd.s32 $0x8F2B, s0  }
0xbd: {  	[sflag:s0] =	ssyncadd.remote.s32 $0x1  }
0xbe: {  	_ =	sfence.sel $0xFFFF  }
0xbf: {  	[dreg:$0x0] =	wrdreg $0xFFFFFFFF;
	(pc) =	sbr.abs _section_cstart, $3  }
0xc0: {  	[dreg:$0x1] =	wrdreg $0xFFFFFFFF  }
0xc1: {  	_ =	task.clear_ibuf [dreg:s7], $0x2FFFF;
	_ =	strace $0x9FFFFFFF  }
0xc2: {  	(tm) =	ssettm $0x7FFFFFFF  }
0xc3: {  	_ =	shalt  }
tec
execute0_lowered:
.L_overlay_start_1:
0x0: {  	(tag) =	ssettag $0x1  }
0x1: {  	s0 =	rddreg [dreg:$0x0];
	s1 =	srdreg.scid  }
0x2: {  	s11 =	stileid.u32;
	s7 =	rddreg [dreg:$0x1]  }
0x3: {  	s2 =	simm.s32 $0x0;
	s12 =	simm.s32 $0xB;
	s13 =	simm.s32 $0x80  }
0x4: {  	s14 =	simm.s32 $0x6400;
	s15 =	simm.s32 $0xA400;
	s17 =	simm.s32 $0xE400  }
0x5: {  	s19 =	simm.s32 $0x12400;
	s20 =	simm.s32 $0x1;
	s28 =	simm.s32 $0x4  }
0x6: {  	s29 =	simm.s32 $0x8;
	s30 =	simm.s32 $0x5;
	s1 =	sand.u32 $0x1, s1  }
0x7: {  	s3 =	sshll.u32 s11, $0x1;
	[smem:$0x7FF] =	sst s2;
	s24 =	smul.u32 $0xC8000, s11  }
0x8: {  	s4 =	sor.u32 s1, s3;
	s6 =	ssub.s32 $0x2, s1;
	s1 =	smul.u32 $0x64000, s1  }
0x9: {  	s31 =	simm.s32 $0x9;
	_ =	strace $0x80000047;
	s5 =	smul.u32 $0x6400, s4  }
0xa: {  	s3 =	sadd.s32 $0x1000, s0;
	s8 =	smul.u32 $0x320000, s4;
	s22 =	sshrl.u32 s6, $0x1  }
0xb: {  	s9 =	smul.u32 $0x64000, s4;
	s26 =	sadd.s32 s24, s7;
	s24 =	simm.s32 $0x6  }
0xc: {  	s10 =	ssub.s32 s6, s22;
	s1 =	sadd.s32 s1, s26;
	s22 =	simm.s32 $0x16400  }
0xd: {  	s26 =	simm.s32 $0x7;
	s5 =	sshrl.u32 s5, $0x3;
	s23 =	sshrl.u32 s8, $0x3  }
0xe: {  	s10 =	smax.u32 s10, $0x1;
	s11 =	sadd.s32 $0x1800, s1;
	s1 =	simm.s32 $0xA  }
0xf: {  	s0 =	sadd.s32 s5, s0;
	s25 =	sadd.s32 s7, s23;
	s5 =	sadd.s32 s7, s9  }
0x10: {  	s23 =	simm.s32 $0x2;
	s0 =	sadd.s32 $0xCF400, s0;
	s6 =	sadd.s32 $0x62000, s25  }
0x11: {  	s7 =	sadd.s32 $0x62800, s25;
	s8 =	sadd.s32 $0x63000, s25;
	s9 =	sadd.s32 $0x63800, s25  }
0x12: {  	s25 =	simm.s32 $0x3;
	[dreg:$0x3] =	wrdreg s0;
	s0 =	simm.s32 $0x0  }
.LBB2_1:
0x13: {  	s4 =	rddreg [dreg:$0x3]  }
0x14: {  	[tilespmem:s2], [sflag:$0xB] =	stream.linear.gather [hbm4b:s4+s2], $0x6400, $0x38;
	[tilespmem:$0x1A400] =	vst v63  }
0x15: {  	_ =	swait.ge [sflag:s12], $0x6400  }
0x16: {  	[sflag:s12] =	ssyncset.done $0x0  }
0x17: {  	[sflag:s12] =	ssyncadd.s32 $0xFFFF9C00  }
0x18: {  	[tilespmem:s14], [sflag:$0x1] =	stream.indirect.gather [hbm4b:s3+s13], $0x80, s2, s13, $0xb8;
	[tilespmem:$0x1A400] =	vst v63  }
0x19: {  	_ = 	snop  }
0x1a: {  	[tilespmem:s15], [sflag:$0x2] =	stream.indirect.gather [hbm4b:s3+s13], $0x80, s13, s13, $0xb8;
	[tilespmem:$0x1A400] =	vst v63  }
0x1b: {  	s21 =	simm.s32 $0x100  }
0x1c: {  	[tilespmem:s17], [sflag:$0x3] =	stream.indirect.gather [hbm4b:s3+s13], $0x80, s21, s13, $0xb8;
	[tilespmem:$0x1A400] =	vst v63  }
0x1d: {  	s16 =	simm.s32 $0x180  }
0x1e: {  	[tilespmem:s19], [sflag:$0x4] =	stream.indirect.gather [hbm4b:s3+s13], $0x80, s16, s13, $0xb8;
	[tilespmem:$0x1A400] =	vst v63  }
0x1f: {  	_ =	swait.ge [sflag:s20], $0x4000  }
0x20: {  	[sflag:s20] =	ssyncset.done $0x0  }
0x21: {  	[sflag:s20] =	ssyncadd.s32 $0xFFFFC000  }
0x22: {  	[hbm4b:s5+s2] =	stream.linear.scatter [tilespmem:s14], [sflag:$0x6], $0x4000, $0x38;
	[tilespmem:$0x1A400] =	vst v63  }
0x23: {  	s18 =	simm.s32 $0x200  }
0x24: {  	[tilespmem:s22], [sflag:$0x5] =	stream.indirect.gather [hbm4b:s3+s13], $0x80, s18, s13, $0xb8;
	[tilespmem:$0x1A400] =	vst v63  }
0x25: {  	_ =	swait.ge [sflag:s23], $0x4000  }
0x26: {  	[sflag:s23] =	ssyncset.done $0x0  }
0x27: {  	s16 =	sadd.s32 $0xFFFFF000, s11;
	[sflag:s23] =	ssyncadd.s32 $0xFFFFC000  }
0x28: {  	[hbm4b:s16+s2] =	stream.linear.scatter [tilespmem:s15], [sflag:$0x7], $0x4000, $0x38;
	[tilespmem:$0x1A400] =	vst v63  }
0x29: {  	_ =	swait.ge [sflag:s24], $0x4000  }
0x2a: {  	[sflag:s24] =	ssyncset.done $0x0  }
0x2b: {  	s21 =	simm.s32 $0x280;
	[sflag:s24] =	ssyncadd.s32 $0xFFFFC000  }
0x2c: {  	[tilespmem:s14], [sflag:$0x1] =	stream.indirect.gather [hbm4b:s3+s13], $0x80, s21, s13, $0xb8;
	[tilespmem:$0x1A400] =	vst v63  }
0x2d: {  	_ =	swait.ge [sflag:s25], $0x4000  }
0x2e: {  	[sflag:s25] =	ssyncset.done $0x0  }
0x2f: {  	s4 =	sadd.s32 $0xFFFFF800, s11;
	[sflag:s25] =	ssyncadd.s32 $0xFFFFC000  }
0x30: {  	[hbm4b:s4+s2] =	stream.linear.scatter [tilespmem:s17], [sflag:$0x8], $0x4000, $0x38;
	[tilespmem:$0x1A400] =	vst v63  }
0x31: {  	_ =	swait.ge [sflag:s26], $0x4000  }
0x32: {  	[sflag:s26] =	ssyncset.done $0x0  }
0x33: {  	s18 =	simm.s32 $0x300;
	[sflag:s26] =	ssyncadd.s32 $0xFFFFC000  }
0x34: {  	[tilespmem:s15], [sflag:$0x2] =	stream.indirect.gather [hbm4b:s3+s13], $0x80, s18, s13, $0xb8;
	[tilespmem:$0x1A400] =	vst v63  }
0x35: {  	_ =	swait.ge [sflag:s28], $0x4000  }
0x36: {  	[sflag:s28] =	ssyncset.done $0x0  }
0x37: {  	[sflag:s28] =	ssyncadd.s32 $0xFFFFC000  }
0x38: {  	[hbm4b:s11+s2] =	stream.linear.scatter [tilespmem:s19], [sflag:$0x9], $0x4000, $0x38;
	[tilespmem:$0x1A400] =	vst v63  }
0x39: {  	_ =	swait.ge [sflag:s29], $0x4000  }
0x3a: {  	[sflag:s29] =	ssyncset.done $0x0  }
0x3b: {  	s21 =	simm.s32 $0x380;
	[sflag:s29] =	ssyncadd.s32 $0xFFFFC000  }
0x3c: {  	[tilespmem:s17], [sflag:$0x3] =	stream.indirect.gather [hbm4b:s3+s13], $0x80, s21, s13, $0xb8;
	[tilespmem:$0x1A400] =	vst v63  }
0x3d: {  	_ =	swait.ge [sflag:s30], $0x4000  }
0x3e: {  	[sflag:s30] =	ssyncset.done $0x0  }
0x3f: {  	s4 =	sadd.s32 $0x800, s11;
	[sflag:s30] =	ssyncadd.s32 $0xFFFFC000  }
0x40: {  	[hbm4b:s4+s2] =	stream.linear.scatter [tilespmem:s22], [sflag:$0xA], $0x4000, $0x38;
	[tilespmem:$0x1A400] =	vst v63  }
0x41: {  	_ =	swait.ge [sflag:s31], $0x4000  }
0x42: {  	[sflag:s31] =	ssyncset.done $0x0  }
0x43: {  	s18 =	simm.s32 $0x400;
	[sflag:s31] =	ssyncadd.s32 $0xFFFFC000  }
0x44: {  	[tilespmem:s19], [sflag:$0x4] =	stream.indirect.gather [hbm4b:s3+s13], $0x80, s18, s13, $0xb8;
	[tilespmem:$0x1A400] =	vst v63  }
0x45: {  	_ =	swait.ge [sflag:s20], $0x4000  }
0x46: {  	[sflag:s20] =	ssyncset.done $0x0  }
0x47: {  	s21 =	sadd.s32 $0x1000, s11;
	[sflag:s20] =	ssyncadd.s32 $0xFFFFC000  }
0x48: {  	[hbm4b:s21+s2] =	stream.linear.scatter [tilespmem:s14], [sflag:$0x6], $0x4000, $0x38;
	[tilespmem:$0x1A400] =	vst v63  }
0x49: {  	_ =	swait.ge [sflag:s1], $0x4000  }
0x4a: {  	s16 =	simm.s32 $0xA00;
	[sflag:s1] =	ssyncset.done $0x0  }
0x4b: {  	s18 =	sadd.s32 $0x2800, s11;
	s21 =	simm.s32 $0x480;
	[sflag:s1] =	ssyncadd.s32 $0xFFFFC000  }
.LBB2_2:
0x4c: {  	[tilespmem:s22], [sflag:$0x5] =	stream.indirect.gather [hbm4b:s3+s13], $0x80, s21, s13, $0xb8;
	[tilespmem:$0x1A400] =	vst v63  }
0x4d: {  	s21 =	smov.u32 s16  }
0x4e: {  	p0 =	sne.s32 s16, $0x17C00;
	s16 =	sadd.s32 $0xA00, s16;
	_ =	swait.ge [sflag:s23], $0x4000  }
0x4f: {  	[sflag:s23] =	ssyncset.done $0x0  }
0x50: {  	s4 =	sadd.s32 $0xFFFFF000, s18;
	[sflag:s23] =	ssyncadd.s32 $0xFFFFC000  }
0x51: {  	[hbm4b:s4+s2] =	stream.linear.scatter [tilespmem:s15], [sflag:$0x7], $0x4000, $0x38;
	[tilespmem:$0x1A400] =	vst v63  }
0x52: {  	_ =	swait.ge [sflag:s24], $0x4000  }
0x53: {  	s21 =	sshra.s32 s21, $0x2;
	[sflag:s24] =	ssyncset.done $0x0  }
0x54: {  	s4 =	sadd.s32 $0x280, s21;
	[sflag:s24] =	ssyncadd.s32 $0xFFFFC000  }
0x55: {  	[tilespmem:s14], [sflag:$0x1] =	stream.indirect.gather [hbm4b:s3+s13], $0x80, s4, s13, $0xb8;
	[tilespmem:$0x1A400] =	vst v63  }
0x56: {  	_ =	swait.ge [sflag:s25], $0x4000  }
0x57: {  	[sflag:s25] =	ssyncset.done $0x0  }
0x58: {  	s4 =	sadd.s32 $0xFFFFF800, s18;
	[sflag:s25] =	ssyncadd.s32 $0xFFFFC000  }
0x59: {  	[hbm4b:s4+s2] =	stream.linear.scatter [tilespmem:s17], [sflag:$0x8], $0x4000, $0x38;
	[tilespmem:$0x1A400] =	vst v63  }
0x5a: {  	_ =	swait.ge [sflag:s26], $0x4000  }
0x5b: {  	[sflag:s26] =	ssyncset.done $0x0  }
0x5c: {  	s4 =	sadd.s32 $0x300, s21;
	[sflag:s26] =	ssyncadd.s32 $0xFFFFC000  }
0x5d: {  	[tilespmem:s15], [sflag:$0x2] =	stream.indirect.gather [hbm4b:s3+s13], $0x80, s4, s13, $0xb8;
	[tilespmem:$0x1A400] =	vst v63  }
0x5e: {  	_ =	swait.ge [sflag:s28], $0x4000  }
0x5f: {  	[sflag:s28] =	ssyncset.done $0x0  }
0x60: {  	[sflag:s28] =	ssyncadd.s32 $0xFFFFC000  }
0x61: {  	[hbm4b:s18+s2] =	stream.linear.scatter [tilespmem:s19], [sflag:$0x9], $0x4000, $0x38;
	[tilespmem:$0x1A400] =	vst v63  }
0x62: {  	_ =	swait.ge [sflag:s29], $0x4000  }
0x63: {  	[sflag:s29] =	ssyncset.done $0x0  }
0x64: {  	s4 =	sadd.s32 $0x380, s21;
	[sflag:s29] =	ssyncadd.s32 $0xFFFFC000  }
0x65: {  	[tilespmem:s17], [sflag:$0x3] =	stream.indirect.gather [hbm4b:s3+s13], $0x80, s4, s13, $0xb8;
	[tilespmem:$0x1A400] =	vst v63  }
0x66: {  	_ =	swait.ge [sflag:s30], $0x4000  }
0x67: {  	[sflag:s30] =	ssyncset.done $0x0  }
0x68: {  	s4 =	sadd.s32 $0x800, s18;
	[sflag:s30] =	ssyncadd.s32 $0xFFFFC000  }
0x69: {  	[hbm4b:s4+s2] =	stream.linear.scatter [tilespmem:s22], [sflag:$0xA], $0x4000, $0x38;
	[tilespmem:$0x1A400] =	vst v63  }
0x6a: {  	_ =	swait.ge [sflag:s31], $0x4000  }
0x6b: {  	[sflag:s31] =	ssyncset.done $0x0  }
0x6c: {  	s4 =	sadd.s32 $0x400, s21;
	[sflag:s31] =	ssyncadd.s32 $0xFFFFC000  }
0x6d: {  	[tilespmem:s19], [sflag:$0x4] =	stream.indirect.gather [hbm4b:s3+s13], $0x80, s4, s13, $0xb8;
	[tilespmem:$0x1A400] =	vst v63  }
0x6e: {  	_ =	swait.ge [sflag:s20], $0x4000  }
0x6f: {  	[sflag:s20] =	ssyncset.done $0x0  }
.Ltmp0:
0x70: {  	s4 =	sadd.s32 $0x1000, s18;
	[sflag:s20] =	ssyncadd.s32 $0xFFFFC000;
	(pc) =	sbr.rel @p0 .LBB2_2-.Ltmp0, $4  }
0x71: {  	[hbm4b:s4+s2] =	stream.linear.scatter [tilespmem:s14], [sflag:$0x6], $0x4000, $0x38;
	[tilespmem:$0x1A400] =	vst v63  }
0x72: {  	_ =	swait.ge [sflag:s1], $0x4000  }
0x73: {  	[sflag:s1] =	ssyncset.done $0x0  }
0x74: {  	s21 =	sadd.s32 $0x480, s21;
	s18 =	sadd.s32 $0x2800, s18;
	[sflag:s1] =	ssyncadd.s32 $0xFFFFC000  }
0x75: {  	[tilespmem:s22], [sflag:$0x5] =	stream.indirect.gather [hbm4b:s3+s13], $0x80, s21, s13, $0xb8;
	[tilespmem:$0x1A400] =	vst v63  }
0x76: {  	_ =	swait.ge [sflag:s23], $0x4000  }
0x77: {  	[sflag:s23] =	ssyncset.done $0x0  }
0x78: {  	[sflag:s23] =	ssyncadd.s32 $0xFFFFC000  }
0x79: {  	[hbm4b:s6+s2] =	stream.linear.scatter [tilespmem:s15], [sflag:$0x7], $0x4000, $0x38;
	[tilespmem:$0x1A400] =	vst v63  }
0x7a: {  	_ =	swait.ge [sflag:s25], $0x4000  }
0x7b: {  	[sflag:s25] =	ssyncset.done $0x0  }
0x7c: {  	[sflag:s25] =	ssyncadd.s32 $0xFFFFC000  }
0x7d: {  	[hbm4b:s7+s2] =	stream.linear.scatter [tilespmem:s17], [sflag:$0x8], $0x4000, $0x38;
	[tilespmem:$0x1A400] =	vst v63  }
0x7e: {  	_ =	swait.ge [sflag:s28], $0x4000  }
0x7f: {  	[sflag:s28] =	ssyncset.done $0x0  }
0x80: {  	[sflag:s28] =	ssyncadd.s32 $0xFFFFC000  }
0x81: {  	[hbm4b:s8+s2] =	stream.linear.scatter [tilespmem:s19], [sflag:$0x9], $0x4000, $0x38;
	[tilespmem:$0x1A400] =	vst v63  }
0x82: {  	_ =	swait.ge [sflag:s30], $0x4000  }
0x83: {  	[sflag:s30] =	ssyncset.done $0x0  }
0x84: {  	[sflag:s30] =	ssyncadd.s32 $0xFFFFC000  }
0x85: {  	[hbm4b:s9+s2] =	stream.linear.scatter [tilespmem:s22], [sflag:$0xA], $0x4000, $0x38;
	[tilespmem:$0x1A400] =	vst v63  }
0x86: {  	_ =	swait.ge [sflag:s24], $0x4000  }
0x87: {  	[sflag:s24] =	ssyncset.done $0x0  }
0x88: {  	[sflag:s24] =	ssyncadd.s32 $0xFFFFC000  }
0x89: {  	_ =	swait.ge [sflag:s26], $0x4000  }
0x8a: {  	[sflag:s26] =	ssyncset.done $0x0  }
0x8b: {  	[sflag:s26] =	ssyncadd.s32 $0xFFFFC000  }
0x8c: {  	_ =	swait.ge [sflag:s29], $0x4000  }
0x8d: {  	[sflag:s29] =	ssyncset.done $0x0  }
0x8e: {  	s0 =	sadd.s32 $0x1, s0;
	[sflag:s29] =	ssyncadd.s32 $0xFFFFC000  }
0x8f: {  	p0 =	sne.s32 s0, s10;
	_ =	swait.ge [sflag:s31], $0x4000  }
.Ltmp1:
0x90: {  	[sflag:s31] =	ssyncset.done $0x0;
	(pc) =	sbr.rel @p0 .LBB2_1-.Ltmp1, $4  }
0x91: {  	[sflag:s31] =	ssyncadd.s32 $0xFFFFC000  }
0x92: {  	_ =	swait.ge [sflag:s1], $0x4000  }
0x93: {  	[sflag:s1] =	ssyncset.done $0x0  }
0x94: {  	[sflag:s1] =	ssyncadd.s32 $0xFFFFC000  }
0x95: {  	_ =	sfence.sel $0x180000  }
0x96: {  	[bflag:$0x0] =	sbarrier.arrive $0xFFFF  }
0x97: {  	_ =	strace $0x90000047  }
0x98: {  	s0 =	stileid.u32;
	[bflag:$0x2] =	sbarrier.arrive $0xFFFF  }
0x99: {  	p0 =	sne.s32 s0, $0x0;
	s0 =	rddreg [dreg:$0x2]  }
0x9a: {  	s0 =	sadd.s32 @!p0 $0x100000, s0  }
0x9b: {  	[sflag:s0] =	ssyncadd.tile.s32 @!p0 $0x1;
	_ =	shalt  }
.Lfunc_end2:
_tile_overlayer_lowered:
.L_overlay_start_2:
0x9c: {  	(tag) =	ssettag $0x2  }
0x9d: {  	s0 =	rddreg [dreg:$0x0];
	s2 =	stileid.u32  }
0x9e: {  	s1 =	rddreg [dreg:$0x1];
	p0 =	sne.s32 s2, $0x0  }
0x9f: {  	s3 =	rddreg [dreg:$0x2];
	[bflag:$0x3] =	sbarrier.arrive $0xFFFF;
	s2 =	simm.s32 @!p0 $0x1C0B  }
0xa0: {  	[timem:s3], [sflag:s2] =	dma.local @!p0 [hbm:s0], s1  }
0xa1: {  	s0 =	simm.s32 @!p0 $0xB  }
0xa2: {  	_ =	swait.ge @!p0 [sflag:s0], s1  }
0xa3: {  	s1 =	ssub.s32 @!p0 $0x0, s1;
	[sflag:s0] =	ssyncset.done @!p0 $0x0  }
0xa4: {  	[sflag:s0] =	ssyncadd.s32 @!p0 s1  }
0xa5: {  	[bflag:$0x3] =	sbarrier.arrive $0xFFFF  }
0xa6: {  	_ =	shalt  }

</sc_bundles>
